<compile_context>
chip_gen: v7x
topology: tpu7x:2x2x1
jax: 0.10.2.dev20260603
libtpu: 0.0.44.dev20260713+nightly
codegen_flags: <defaults>
</compile_context>

<pallas_src>
import functools

import jax
import jax.numpy as jnp
from jax import lax
from jax.experimental import pallas as pl
from jax.experimental.pallas import tpu as pltpu
from jax.experimental.pallas import tpu_sc as plsc

_K = 40
_N = 2048
_C = 512
_O = 515
_NH = 8
_AD = 64
_SCALE = (_NH * _AD) ** -0.5
_BNS = 1.0 / (1.0 + 1e-5) ** 0.5

_RT = 256

_ROWS = _K * _N // 2
_NW = 32
_PW = _ROWS // _NW
_CR = 128
_NCH = _PW // _CR



def _knn_body(s_blk_ref, s_all_ref, idx_ref):
    s_blk = s_blk_ref[...]
    s_all = s_all_ref[...]
    g = lax.dot_general(s_blk, s_all, (((0,), (0,)), ((), ())))
    xx_blk = jnp.sum(s_blk * s_blk, axis=0)[:, None]
    xx_all = jnp.sum(s_all * s_all, axis=0)[None, :]
    pd = 2.0 * g - xx_blk - xx_all
    iob = lax.broadcasted_iota(jnp.int32, (_RT, 128), 1)
    neg = jnp.full((_RT, 128), -jnp.inf, jnp.float32)
    big = jnp.full((_RT, 128), _N, jnp.int32)

    def body(j, vprev):
        vp = vprev[:, None]
        mx = neg
        bid = jnp.zeros((_RT, 128), jnp.int32)
        for i in range(_N // 128):
            blk = pd[:, i * 128:(i + 1) * 128]
            nm = jnp.where(blk < vp, blk, neg)
            upd = nm > mx
            mx = jnp.where(upd, nm, mx)
            bid = jnp.where(upd, i, bid)
        m = jnp.max(mx, axis=1)
        gi = bid * 128 + iob
        arg = jnp.min(jnp.where(mx == m[:, None], gi, big), axis=1)
        idx_ref[pl.ds(j, 1), :] = arg[None, :]
        return m

    lax.fori_loop(0, _K, body, jnp.full((_RT,), jnp.inf, jnp.float32))


def _make_knn(half, interpret=False):
    hb = half * (_N // 2) // _RT
    return pl.pallas_call(
        _knn_body,
        grid=(_N // 2 // _RT,),
        in_specs=[
            pl.BlockSpec((_C, _RT), lambda r: (0, hb + r)),
            pl.BlockSpec((_C, _N), lambda r: (0, 0)),
        ],
        out_specs=pl.BlockSpec((_K, _RT), lambda r: (0, r)),
        out_shape=jax.ShapeDtypeStruct((_K, _N // 2), jnp.int32),
        interpret=interpret,
    )



def _uv_body(s_ref, w5_ref, g5_ref, b5_ref, u_ref, v_ref):
    s = s_ref[...]
    wa = w5_ref[:, :_C]
    wd = w5_ref[:, _C:] - wa
    u = lax.dot_general(s, wa, (((0,), (1,)), ((), ())))
    v = lax.dot_general(s, wd, (((0,), (1,)), ((), ())))
    s5 = (g5_ref[0] * _BNS)[None, :]
    us = u * s5
    ub = lax.bitcast_convert_type(us, jnp.int32)
    ub = (ub + 0x7FFF + ((ub >> 16) & 1)) >> 16
    lo = ub[:, : _C // 2] & 0xFFFF
    hi = ub[:, _C // 2:] << 16
    u_ref[...] = lo | hi
    v_ref[...] = v * s5 + b5_ref[0][None, :]


def _make_uv(interpret=False):
    return pl.pallas_call(
        _uv_body,
        in_specs=[
            pl.BlockSpec((_C, _N), lambda: (0, 0)),
            pl.BlockSpec((_C, 2 * _C), lambda: (0, 0)),
            pl.BlockSpec((1, _C), lambda: (0, 0)),
            pl.BlockSpec((1, _C), lambda: (0, 0)),
        ],
        out_specs=[
            pl.BlockSpec((_N, _C // 2), lambda: (0, 0)),
            pl.BlockSpec((_N, _C), lambda: (0, 0)),
        ],
        out_shape=[
            jax.ShapeDtypeStruct((_N, _C // 2), jnp.int32),
            jax.ShapeDtypeStruct((_N, _C), jnp.float32),
        ],
        interpret=interpret,
    )



def _gather_body(tab_ref, idx_ref, out_ref, idx_v, rows_v, sem):
    wid = lax.axis_index("s") * 2 + lax.axis_index("c")
    base = wid * _PW

    def chunk(i, carry):
        off = base + i * _CR
        pltpu.sync_copy(idx_ref.at[pl.ds(off, _CR)], idx_v)
        pltpu.async_copy(tab_ref.at[idx_v], rows_v, sem).wait()
        pltpu.sync_copy(rows_v, out_ref.at[pl.ds(off, _CR)])
        return carry

    lax.fori_loop(0, _NCH, chunk, 0)


@functools.lru_cache(maxsize=None)
def _make_sc_gather():
    return pl.kernel(
        _gather_body,
        out_type=jax.ShapeDtypeStruct((_ROWS, _C // 2), jnp.int32),
        mesh=plsc.VectorSubcoreMesh(core_axis_name="c", subcore_axis_name="s"),
        scratch_types=[
            pltpu.VMEM((_CR,), jnp.int32),
            pltpu.VMEM((_CR, _C // 2), jnp.int32),
            pltpu.SemaphoreType.DMA,
        ],
    )



def _conv2_body(ga_ref, gb_ref, v_ref, w6_ref, g6_ref, b6_ref, out_ref):
    j = pl.program_id(0)
    gp = jnp.concatenate([ga_ref[...], gb_ref[...]], axis=0)
    g_lo = lax.bitcast_convert_type(gp << 16, jnp.float32)
    g_hi = lax.bitcast_convert_type(gp & jnp.int32(-65536), jnp.float32)
    h = jnp.concatenate([g_lo, g_hi], axis=1) + v_ref[...]
    h = jnp.maximum(h, 0.2 * h)
    f = lax.dot_general(w6_ref[...], h, (((1,), (0,)), ((), ())))
    a = f * (g6_ref[0] * _BNS)[:, None] + b6_ref[0][:, None]
    a = jnp.maximum(a, 0.2 * a)

    @pl.when(j == 0)
    def _():
        out_ref[...] = a

    @pl.when(j > 0)
    def _():
        out_ref[...] = jnp.maximum(out_ref[...], a)


def _make_conv2(interpret=False):
    return pl.pallas_call(
        _conv2_body,
        grid=(_K,),
        in_specs=[
            pl.BlockSpec((_N // 2, _C // 2), lambda j: (j, 0)),
            pl.BlockSpec((_N // 2, _C // 2), lambda j: (j, 0)),
            pl.BlockSpec((_N, _C), lambda j: (0, 0)),
            pl.BlockSpec((_O, _N), lambda j: (0, 0)),
            pl.BlockSpec((1, _O), lambda j: (0, 0)),
            pl.BlockSpec((1, _O), lambda j: (0, 0)),
        ],
        out_specs=pl.BlockSpec((_O, _C), lambda j: (0, 0)),
        out_shape=jax.ShapeDtypeStruct((_O, _C), jnp.float32),
        interpret=interpret,
    )



def _attn_body(xf_ref, yf_ref, wq_ref, wk_ref, wv_ref, ow_ref, ob_ref, out_ref):
    xf = xf_ref[...]
    yf = yf_ref[...]
    qt = lax.dot_general(wq_ref[...], xf, (((1,), (0,)), ((), ())))
    kt = lax.dot_general(wk_ref[...], yf, (((1,), (0,)), ((), ())))
    vt = lax.dot_general(wv_ref[...], yf, (((1,), (0,)), ((), ())))
    acc = jnp.zeros((_C, _O), jnp.float32)
    for h in range(_NH):
        sl = slice(h * _AD, (h + 1) * _AD)
        qh = qt[sl, :]
        kh = kt[sl, :]
        vh = vt[sl, :]
        dp = lax.dot_general(qh, kh, (((0,), (0,)), ((), ()))) * _SCALE
        m = jnp.max(dp, axis=1, keepdims=True)
        e = jnp.exp(dp - m)
        p = e / jnp.sum(e, axis=1, keepdims=True)
        wh = lax.dot_general(p, vh, (((1,), (1,)), ((), ())))
        owh = ow_ref[:, sl]
        acc = acc + lax.dot_general(wh, owh, (((1,), (1,)), ((), ())))
    out_ref[...] = acc + ob_ref[0][None, :]


def _make_attn(interpret=False):
    return pl.pallas_call(
        _attn_body,
        in_specs=[
            pl.BlockSpec((_O, _C), lambda: (0, 0)),
            pl.BlockSpec((_O, _C), lambda: (0, 0)),
            pl.BlockSpec((_NH * _AD, _O), lambda: (0, 0)),
            pl.BlockSpec((_NH * _AD, _O), lambda: (0, 0)),
            pl.BlockSpec((_NH * _AD, _O), lambda: (0, 0)),
            pl.BlockSpec((_O, _NH * _AD), lambda: (0, 0)),
            pl.BlockSpec((1, _O), lambda: (0, 0)),
        ],
        out_specs=pl.BlockSpec((_C, _O), lambda: (0, 0)),
        out_shape=jax.ShapeDtypeStruct((_C, _O), jnp.float32),
        interpret=interpret,
    )



def kernel(x, y, w5, g5, b5, w6, g6, b6, wq, wk, wv, ow, ob):
    sx = x[0]
    sy = y[0]
    g5r = g5.reshape(1, _C)
    b5r = b5.reshape(1, _C)
    g6r = g6.reshape(1, _O)
    b6r = b6.reshape(1, _O)
    obr = ob.reshape(1, _O)

    knn0 = _make_knn(0)
    knn1 = _make_knn(1)
    uv = _make_uv()
    conv2 = _make_conv2()
    gather = _make_sc_gather()

    ux, vx = uv(sx, w5, g5r, b5r)
    idx_xa = knn0(sx, sx)
    gxa = gather(ux, idx_xa.reshape(_ROWS))
    idx_xb = knn1(sx, sx)
    gxb = gather(ux, idx_xb.reshape(_ROWS))
    uy, vy = uv(sy, w5, g5r, b5r)
    idx_ya = knn0(sy, sy)
    gya = gather(uy, idx_ya.reshape(_ROWS))
    idx_yb = knn1(sy, sy)
    gyb = gather(uy, idx_yb.reshape(_ROWS))
    xft = conv2(gxa, gxb, vx, w6, g6r, b6r)
    yft = conv2(gya, gyb, vy, w6, g6r, b6r)
    out = _make_attn()(xft, yft, wq, wk, wv, ow, obr)
    return out[None]

# --- scband reference (transcript-rebuilt; emitter-appended) ---
"""Pipeline reference for scband-open-ad-dgcnn-61735859912963 (READ-ONLY COPY).

The authoritative reference and input builder live on the scoring server;
editing this copy changes nothing except your own understanding.
"""

import jax, jax.numpy as jnp
import numpy as np

K = 40
NHEADS = 8
ADIM = 64
HDIM = NHEADS * ADIM
SCALE = HDIM ** -0.5


def _bn(x, gamma, beta):
    # BatchNorm2d in eval mode with running_mean=0, running_var=1, eps=1e-5
    return gamma[None, :, None, None] * x / jnp.sqrt(1.0 + 1e-5) + beta[None, :, None, None]


def _conv1x1(x, w):
    # Conv2d kernel_size=1, bias=False : [B,C,H,W] x [O,C] -> [B,O,H,W]
    return jnp.einsum('bchw,oc->bohw', x, w)


def _knn(x, k):
    inner = -2.0 * jnp.matmul(jnp.transpose(x, (0, 2, 1)), x)
    xx = jnp.sum(x ** 2, axis=1, keepdims=True)
    pairwise_distance = -xx - inner - jnp.transpose(xx, (0, 2, 1))
    return jax.lax.top_k(pairwise_distance, k)[1]


def _graph_feature(x, k):
    B, C, N = x.shape
    idx = _knn(x, k)  # [B, N, k]
    xT = jnp.transpose(x, (0, 2, 1))  # [B, N, C]
    feat = xT[jnp.arange(B)[:, None, None], idx]  # gather neighbors [B, N, k, C]
    xe = jnp.broadcast_to(xT[:, :, None, :], (B, N, k, C))
    out = jnp.concatenate([feat - xe, xe], axis=3)  # [B, N, k, 2C]
    return jnp.transpose(out, (0, 3, 1, 2))  # [B, 2C, N, k]


def _branch(p, w5, g5, b5, w6, g6, b6):
    h = _graph_feature(p, K)  # [B, 1024, 2048, 40]
    h = jax.nn.leaky_relu(_bn(_conv1x1(h, w5), g5, b5), 0.2)  # [B, 512, 2048, 40]
    h = jnp.transpose(h, (0, 2, 1, 3))  # [B, 2048, 512, 40]
    h = jax.nn.leaky_relu(_bn(_conv1x1(h, w6), g6, b6), 0.2)  # [B, 515, 512, 40]
    h = jnp.transpose(h, (0, 2, 1, 3))  # [B, 512, 515, 40]
    return jnp.max(h, axis=-1)  # [B, 512, 515]


def setup_inputs(seed: int = 0):
    key = jax.random.key(seed)
    ks = jax.random.split(key, 12)
    B, C, N = 1, 512, 2048
    indim = 515
    x = jax.random.normal(ks[0], (B, C, N), dtype=jnp.float32)
    y = jax.random.normal(ks[1], (B, C, N), dtype=jnp.float32)
    w5 = jax.random.normal(ks[2], (512, 1024), dtype=jnp.float32) * 0.02
    g5 = jnp.ones((512,), dtype=jnp.float32)
    b5 = jnp.zeros((512,), dtype=jnp.float32)
    w6 = jax.random.normal(ks[3], (515, 2048), dtype=jnp.float32) * 0.02
    g6 = jnp.ones((515,), dtype=jnp.float32)
    b6 = jnp.zeros((515,), dtype=jnp.float32)
    wq = jax.random.normal(ks[4], (HDIM, indim), dtype=jnp.float32) * 0.02
    wk = jax.random.normal(ks[5], (HDIM, indim), dtype=jnp.float32) * 0.02
    wv = jax.random.normal(ks[6], (HDIM, indim), dtype=jnp.float32) * 0.02
    ow = jax.random.normal(ks[7], (indim, HDIM), dtype=jnp.float32) * 0.02
    ob = jnp.zeros((indim,), dtype=jnp.float32)
    return {'x': x, 'y': y, 'w5': w5, 'g5': g5, 'b5': b5, 'w6': w6, 'g6': g6, 'b6': b6,
            'wq': wq, 'wk': wk, 'wv': wv, 'ow': ow, 'ob': ob}


def reference(x, y, w5, g5, b5, w6, g6, b6, wq, wk, wv, ow, ob):
    xf = _branch(x, w5, g5, b5, w6, g6, b6)  # [B, 512, 515]
    yf = _branch(y, w5, g5, b5, w6, g6, b6)

    def proj(t, w):
        B, L, D = t.shape
        h = jnp.einsum('bld,hd->blh', t, w)  # Linear bias=False
        return jnp.transpose(h.reshape(B, L, NHEADS, ADIM), (0, 2, 1, 3))

    q = proj(xf, wq)  # key_lyr(x) in torch naming
    k = proj(yf, wk)
    v = proj(yf, wv)
    dotp = jnp.matmul(q, jnp.transpose(k, (0, 1, 3, 2))) * SCALE
    scores = jax.nn.softmax(dotp, axis=-1)
    # dropout in eval mode -> identity
    weighted = jnp.matmul(scores, v)  # [B, H, L, A]
    B, H, L, A = weighted.shape
    merged = jnp.transpose(weighted, (0, 2, 1, 3)).reshape(B, L, H * A)
    return jnp.einsum('blh,oh->blo', merged, ow) + ob[None, None, :]

if __name__ == "__main__":
    import jax
    _d = setup_inputs()
    print(jax.jit(kernel)(*tuple(_d.values())))

</pallas_src>

<mosaic_0001>
#map = affine_map<(d0, d1) -> (0, 0)>
#map1 = affine_map<(d0, d1) -> (0)>
module attributes {stable_mosaic.version = 14 : i64} {
  func.func @_gather_body(%arg0: i32, %arg1: i32, %arg2: memref<2048x256xi32, #tpu.memory_space<hbm>>, %arg3: memref<40960xi32, #tpu.memory_space<hbm>>, %arg4: memref<40960x256xi32, #tpu.memory_space<hbm>>, %arg5: memref<128xi32, #tpu.memory_space<vmem>>, %arg6: memref<128x256xi32, #tpu.memory_space<vmem>>, %arg7: memref<!tpu.dma_semaphore, #tpu.memory_space<semaphore_mem>>) attributes {dimension_semantics = [#tpu.dimension_semantics<core_parallel>, #tpu.dimension_semantics<subcore_parallel>], iteration_bounds = array<i64: 2, 16>, scalar_prefetch = 0 : i64, scratch_operands = 3 : i64, tpu.core_type = #tpu.core_type<sc_vector_subcore>, window_params = [{transform_indices = #map}, {transform_indices = #map1}, {transform_indices = #map}]} {
    %mul3A = arith.constant 2 : i32
    %mul3A_0 = arith.muli %arg1, %mul3A : i32
    %add3A = arith.addi %mul3A_0, %arg0 : i32
    %mul3A_1 = arith.constant 1280 : i32
    %mul3A_2 = arith.muli %add3A, %mul3A_1 : i32
    %scan3A = arith.constant 0 : i32
    %scan3A_3 = arith.constant 0 : i32
    %scan3A_4 = arith.constant 10 : i32
    %scan3A_5 = arith.addi %scan3A_3, %scan3A_4 : i32
    %scan3A_6 = arith.constant 1 : i32
    scf.for %scan3A_8 = %scan3A_3 to %scan3A_5 step %scan3A_6  : i32 {
      %mul3A_9 = arith.constant 128 : i32
      %mul3A_10 = arith.muli %scan3A_8, %mul3A_9 : i32
      %add3A_11 = arith.addi %mul3A_2, %mul3A_10 : i32
      "tpu.region"() ({
        %run_scoped3A = tpu.sem_alloc : memref<!tpu.dma_semaphore, #tpu.memory_space<semaphore_mem>>
        %dma_start3A_16 = tpu.memref_slice %arg3[%add3A_11] : memref<40960xi32, #tpu.memory_space<hbm>> -> memref<128xi32, #tpu.memory_space<hbm>>
        %dma_start3A_17 = tpu.memref_slice %arg3[%add3A_11] : memref<40960xi32, #tpu.memory_space<hbm>> -> memref<128xi32, #tpu.memory_space<hbm>>
        tpu.enqueue_dma source(%dma_start3A_17 : memref<128xi32, #tpu.memory_space<hbm>>) target(%arg5 : memref<128xi32, #tpu.memory_space<vmem>>) target_semaphore(%run_scoped3A : memref<!tpu.dma_semaphore, #tpu.memory_space<semaphore_mem>>)
        %dma_wait3A_18 = tpu.memref_slice %arg3[%add3A_11] : memref<40960xi32, #tpu.memory_space<hbm>> -> memref<128xi32, #tpu.memory_space<hbm>>
        %dma_wait3A_19 = tpu.memref_slice %arg3[%add3A_11] : memref<40960xi32, #tpu.memory_space<hbm>> -> memref<128xi32, #tpu.memory_space<hbm>>
        tpu.wait_dma2 semaphore(%run_scoped3A : memref<!tpu.dma_semaphore, #tpu.memory_space<semaphore_mem>>) src(%dma_wait3A_19 : memref<128xi32, #tpu.memory_space<hbm>>) dst(%arg5 : memref<128xi32, #tpu.memory_space<vmem>>)
        tpu.yield
      }) : () -> ()
      %dma_start3A = arith.constant 0 : i32
      %dma_start3A_12 = arith.constant 0 : i32
      %dma_start3A_13 = tpu.memref_slice %arg2[%dma_start3A, %dma_start3A_12] : memref<2048x256xi32, #tpu.memory_space<hbm>> -> memref<2048x256xi32, #tpu.memory_space<hbm>>
      tpu.enqueue_indirect_dma source(%dma_start3A_13 : memref<2048x256xi32, #tpu.memory_space<hbm>>) target(%arg6 : memref<128x256xi32, #tpu.memory_space<vmem>>) offsets(%arg5 : memref<128xi32, #tpu.memory_space<vmem>>) semaphore(%arg7 : memref<!tpu.dma_semaphore, #tpu.memory_space<semaphore_mem>>)
      %dma_wait3A = arith.constant 0 : i32
      %dma_wait3A_14 = arith.constant 0 : i32
      %dma_wait3A_15 = tpu.memref_slice %arg2[%dma_wait3A, %dma_wait3A_14] : memref<2048x256xi32, #tpu.memory_space<hbm>> -> memref<2048x256xi32, #tpu.memory_space<hbm>>
      tpu.wait_indirect_dma semaphore(%arg7 : memref<!tpu.dma_semaphore, #tpu.memory_space<semaphore_mem>>) src(%dma_wait3A_15 : memref<2048x256xi32, #tpu.memory_space<hbm>>) dst(%arg6 : memref<128x256xi32, #tpu.memory_space<vmem>>)
      "tpu.region"() ({
        %run_scoped3A = tpu.sem_alloc : memref<!tpu.dma_semaphore, #tpu.memory_space<semaphore_mem>>
        %dma_start3A_16 = arith.constant 0 : i32
        %dma_start3A_17 = tpu.memref_slice %arg4[%add3A_11, %dma_start3A_16] : memref<40960x256xi32, #tpu.memory_space<hbm>> -> memref<128x256xi32, #tpu.memory_space<hbm>>
        %dma_start3A_18 = arith.constant 0 : i32
        %dma_start3A_19 = tpu.memref_slice %arg4[%add3A_11, %dma_start3A_18] : memref<40960x256xi32, #tpu.memory_space<hbm>> -> memref<128x256xi32, #tpu.memory_space<hbm>>
        tpu.enqueue_dma source(%arg6 : memref<128x256xi32, #tpu.memory_space<vmem>>) target(%dma_start3A_19 : memref<128x256xi32, #tpu.memory_space<hbm>>) target_semaphore(%run_scoped3A : memref<!tpu.dma_semaphore, #tpu.memory_space<semaphore_mem>>)
        %dma_wait3A_20 = arith.constant 0 : i32
        %dma_wait3A_21 = tpu.memref_slice %arg4[%add3A_11, %dma_wait3A_20] : memref<40960x256xi32, #tpu.memory_space<hbm>> -> memref<128x256xi32, #tpu.memory_space<hbm>>
        %dma_wait3A_22 = arith.constant 0 : i32
        %dma_wait3A_23 = tpu.memref_slice %arg4[%add3A_11, %dma_wait3A_22] : memref<40960x256xi32, #tpu.memory_space<hbm>> -> memref<128x256xi32, #tpu.memory_space<hbm>>
        tpu.wait_dma2 semaphore(%run_scoped3A : memref<!tpu.dma_semaphore, #tpu.memory_space<semaphore_mem>>) src(%arg6 : memref<128x256xi32, #tpu.memory_space<vmem>>) dst(%dma_wait3A_23 : memref<128x256xi32, #tpu.memory_space<hbm>>)
        tpu.yield
      }) : () -> ()
    }
    %scan3A_7 = arith.constant 10 : i32
    return
  }
}

#map = affine_map<(d0, d1) -> (0, 0)>
#map1 = affine_map<(d0, d1) -> (0)>
module attributes {stable_mosaic.version = 14 : i64} {
  func.func @_gather_body(%arg0: i32, %arg1: i32, %arg2: memref<2048x256xi32, #tpu.memory_space<hbm>>, %arg3: memref<40960xi32, #tpu.memory_space<hbm>>, %arg4: memref<40960x256xi32, #tpu.memory_space<hbm>>, %arg5: memref<128xi32, #tpu.memory_space<vmem>>, %arg6: memref<128x256xi32, #tpu.memory_space<vmem>>, %arg7: memref<!tpu.dma_semaphore, #tpu.memory_space<semaphore_mem>>) attributes {dimension_semantics = [#tpu.dimension_semantics<core_parallel>, #tpu.dimension_semantics<subcore_parallel>], iteration_bounds = array<i64: 2, 16>, scalar_prefetch = 0 : i64, scratch_operands = 3 : i64, tpu.core_type = #tpu.core_type<sc_vector_subcore>, window_params = [{transform_indices = #map}, {transform_indices = #map1}, {transform_indices = #map}]} {
    %mul3A = arith.constant 2 : i32
    %mul3A_0 = arith.muli %arg1, %mul3A : i32
    %add3A = arith.addi %mul3A_0, %arg0 : i32
    %mul3A_1 = arith.constant 1280 : i32
    %mul3A_2 = arith.muli %add3A, %mul3A_1 : i32
    %scan3A = arith.constant 0 : i32
    %scan3A_3 = arith.constant 0 : i32
    %scan3A_4 = arith.constant 10 : i32
    %scan3A_5 = arith.addi %scan3A_3, %scan3A_4 : i32
    %scan3A_6 = arith.constant 1 : i32
    scf.for %scan3A_8 = %scan3A_3 to %scan3A_5 step %scan3A_6  : i32 {
      %mul3A_9 = arith.constant 128 : i32
      %mul3A_10 = arith.muli %scan3A_8, %mul3A_9 : i32
      %add3A_11 = arith.addi %mul3A_2, %mul3A_10 : i32
      "tpu.region"() ({
        %run_scoped3A = tpu.sem_alloc : memref<!tpu.dma_semaphore, #tpu.memory_space<semaphore_mem>>
        %dma_start3A_16 = tpu.memref_slice %arg3[%add3A_11] : memref<40960xi32, #tpu.memory_space<hbm>> -> memref<128xi32, #tpu.memory_space<hbm>>
        %dma_start3A_17 = tpu.memref_slice %arg3[%add3A_11] : memref<40960xi32, #tpu.memory_space<hbm>> -> memref<128xi32, #tpu.memory_space<hbm>>
        tpu.enqueue_dma source(%dma_start3A_17 : memref<128xi32, #tpu.memory_space<hbm>>) target(%arg5 : memref<128xi32, #tpu.memory_space<vmem>>) target_semaphore(%run_scoped3A : memref<!tpu.dma_semaphore, #tpu.memory_space<semaphore_mem>>)
        %dma_wait3A_18 = tpu.memref_slice %arg3[%add3A_11] : memref<40960xi32, #tpu.memory_space<hbm>> -> memref<128xi32, #tpu.memory_space<hbm>>
        %dma_wait3A_19 = tpu.memref_slice %arg3[%add3A_11] : memref<40960xi32, #tpu.memory_space<hbm>> -> memref<128xi32, #tpu.memory_space<hbm>>
        tpu.wait_dma2 semaphore(%run_scoped3A : memref<!tpu.dma_semaphore, #tpu.memory_space<semaphore_mem>>) src(%dma_wait3A_19 : memref<128xi32, #tpu.memory_space<hbm>>) dst(%arg5 : memref<128xi32, #tpu.memory_space<vmem>>)
        tpu.yield
      }) : () -> ()
      %dma_start3A = arith.constant 0 : i32
      %dma_start3A_12 = arith.constant 0 : i32
      %dma_start3A_13 = tpu.memref_slice %arg2[%dma_start3A, %dma_start3A_12] : memref<2048x256xi32, #tpu.memory_space<hbm>> -> memref<2048x256xi32, #tpu.memory_space<hbm>>
      tpu.enqueue_indirect_dma source(%dma_start3A_13 : memref<2048x256xi32, #tpu.memory_space<hbm>>) target(%arg6 : memref<128x256xi32, #tpu.memory_space<vmem>>) offsets(%arg5 : memref<128xi32, #tpu.memory_space<vmem>>) semaphore(%arg7 : memref<!tpu.dma_semaphore, #tpu.memory_space<semaphore_mem>>)
      %dma_wait3A = arith.constant 0 : i32
      %dma_wait3A_14 = arith.constant 0 : i32
      %dma_wait3A_15 = tpu.memref_slice %arg2[%dma_wait3A, %dma_wait3A_14] : memref<2048x256xi32, #tpu.memory_space<hbm>> -> memref<2048x256xi32, #tpu.memory_space<hbm>>
      tpu.wait_indirect_dma semaphore(%arg7 : memref<!tpu.dma_semaphore, #tpu.memory_space<semaphore_mem>>) src(%dma_wait3A_15 : memref<2048x256xi32, #tpu.memory_space<hbm>>) dst(%arg6 : memref<128x256xi32, #tpu.memory_space<vmem>>)
      "tpu.region"() ({
        %run_scoped3A = tpu.sem_alloc : memref<!tpu.dma_semaphore, #tpu.memory_space<semaphore_mem>>
        %dma_start3A_16 = arith.constant 0 : i32
        %dma_start3A_17 = tpu.memref_slice %arg4[%add3A_11, %dma_start3A_16] : memref<40960x256xi32, #tpu.memory_space<hbm>> -> memref<128x256xi32, #tpu.memory_space<hbm>>
        %dma_start3A_18 = arith.constant 0 : i32
        %dma_start3A_19 = tpu.memref_slice %arg4[%add3A_11, %dma_start3A_18] : memref<40960x256xi32, #tpu.memory_space<hbm>> -> memref<128x256xi32, #tpu.memory_space<hbm>>
        tpu.enqueue_dma source(%arg6 : memref<128x256xi32, #tpu.memory_space<vmem>>) target(%dma_start3A_19 : memref<128x256xi32, #tpu.memory_space<hbm>>) target_semaphore(%run_scoped3A : memref<!tpu.dma_semaphore, #tpu.memory_space<semaphore_mem>>)
        %dma_wait3A_20 = arith.constant 0 : i32
        %dma_wait3A_21 = tpu.memref_slice %arg4[%add3A_11, %dma_wait3A_20] : memref<40960x256xi32, #tpu.memory_space<hbm>> -> memref<128x256xi32, #tpu.memory_space<hbm>>
        %dma_wait3A_22 = arith.constant 0 : i32
        %dma_wait3A_23 = tpu.memref_slice %arg4[%add3A_11, %dma_wait3A_22] : memref<40960x256xi32, #tpu.memory_space<hbm>> -> memref<128x256xi32, #tpu.memory_space<hbm>>
        tpu.wait_dma2 semaphore(%run_scoped3A : memref<!tpu.dma_semaphore, #tpu.memory_space<semaphore_mem>>) src(%arg6 : memref<128x256xi32, #tpu.memory_space<vmem>>) dst(%dma_wait3A_23 : memref<128x256xi32, #tpu.memory_space<hbm>>)
        tpu.yield
      }) : () -> ()
    }
    %scan3A_7 = arith.constant 10 : i32
    return
  }
}

#map = affine_map<(d0, d1) -> (0, 0)>
#map1 = affine_map<(d0, d1) -> (0)>
module attributes {stable_mosaic.version = 14 : i64} {
  func.func @_gather_body(%arg0: i32, %arg1: i32, %arg2: memref<2048x256xi32, #tpu.memory_space<hbm>>, %arg3: memref<40960xi32, #tpu.memory_space<hbm>>, %arg4: memref<40960x256xi32, #tpu.memory_space<hbm>>, %arg5: memref<128xi32, #tpu.memory_space<vmem>>, %arg6: memref<128x256xi32, #tpu.memory_space<vmem>>, %arg7: memref<!tpu.dma_semaphore, #tpu.memory_space<semaphore_mem>>) attributes {dimension_semantics = [#tpu.dimension_semantics<core_parallel>, #tpu.dimension_semantics<subcore_parallel>], iteration_bounds = array<i64: 2, 16>, scalar_prefetch = 0 : i64, scratch_operands = 3 : i64, tpu.core_type = #tpu.core_type<sc_vector_subcore>, window_params = [{transform_indices = #map}, {transform_indices = #map1}, {transform_indices = #map}]} {
    %mul3A = arith.constant 2 : i32
    %mul3A_0 = arith.muli %arg1, %mul3A : i32
    %add3A = arith.addi %mul3A_0, %arg0 : i32
    %mul3A_1 = arith.constant 1280 : i32
    %mul3A_2 = arith.muli %add3A, %mul3A_1 : i32
    %scan3A = arith.constant 0 : i32
    %scan3A_3 = arith.constant 0 : i32
    %scan3A_4 = arith.constant 10 : i32
    %scan3A_5 = arith.addi %scan3A_3, %scan3A_4 : i32
    %scan3A_6 = arith.constant 1 : i32
    scf.for %scan3A_8 = %scan3A_3 to %scan3A_5 step %scan3A_6  : i32 {
      %mul3A_9 = arith.constant 128 : i32
      %mul3A_10 = arith.muli %scan3A_8, %mul3A_9 : i32
      %add3A_11 = arith.addi %mul3A_2, %mul3A_10 : i32
      "tpu.region"() ({
        %run_scoped3A = tpu.sem_alloc : memref<!tpu.dma_semaphore, #tpu.memory_space<semaphore_mem>>
        %dma_start3A_16 = tpu.memref_slice %arg3[%add3A_11] : memref<40960xi32, #tpu.memory_space<hbm>> -> memref<128xi32, #tpu.memory_space<hbm>>
        %dma_start3A_17 = tpu.memref_slice %arg3[%add3A_11] : memref<40960xi32, #tpu.memory_space<hbm>> -> memref<128xi32, #tpu.memory_space<hbm>>
        tpu.enqueue_dma source(%dma_start3A_17 : memref<128xi32, #tpu.memory_space<hbm>>) target(%arg5 : memref<128xi32, #tpu.memory_space<vmem>>) target_semaphore(%run_scoped3A : memref<!tpu.dma_semaphore, #tpu.memory_space<semaphore_mem>>)
        %dma_wait3A_18 = tpu.memref_slice %arg3[%add3A_11] : memref<40960xi32, #tpu.memory_space<hbm>> -> memref<128xi32, #tpu.memory_space<hbm>>
        %dma_wait3A_19 = tpu.memref_slice %arg3[%add3A_11] : memref<40960xi32, #tpu.memory_space<hbm>> -> memref<128xi32, #tpu.memory_space<hbm>>
        tpu.wait_dma2 semaphore(%run_scoped3A : memref<!tpu.dma_semaphore, #tpu.memory_space<semaphore_mem>>) src(%dma_wait3A_19 : memref<128xi32, #tpu.memory_space<hbm>>) dst(%arg5 : memref<128xi32, #tpu.memory_space<vmem>>)
        tpu.yield
      }) : () -> ()
      %dma_start3A = arith.constant 0 : i32
      %dma_start3A_12 = arith.constant 0 : i32
      %dma_start3A_13 = tpu.memref_slice %arg2[%dma_start3A, %dma_start3A_12] : memref<2048x256xi32, #tpu.memory_space<hbm>> -> memref<2048x256xi32, #tpu.memory_space<hbm>>
      tpu.enqueue_indirect_dma source(%dma_start3A_13 : memref<2048x256xi32, #tpu.memory_space<hbm>>) target(%arg6 : memref<128x256xi32, #tpu.memory_space<vmem>>) offsets(%arg5 : memref<128xi32, #tpu.memory_space<vmem>>) semaphore(%arg7 : memref<!tpu.dma_semaphore, #tpu.memory_space<semaphore_mem>>)
      %dma_wait3A = arith.constant 0 : i32
      %dma_wait3A_14 = arith.constant 0 : i32
      %dma_wait3A_15 = tpu.memref_slice %arg2[%dma_wait3A, %dma_wait3A_14] : memref<2048x256xi32, #tpu.memory_space<hbm>> -> memref<2048x256xi32, #tpu.memory_space<hbm>>
      tpu.wait_indirect_dma semaphore(%arg7 : memref<!tpu.dma_semaphore, #tpu.memory_space<semaphore_mem>>) src(%dma_wait3A_15 : memref<2048x256xi32, #tpu.memory_space<hbm>>) dst(%arg6 : memref<128x256xi32, #tpu.memory_space<vmem>>)
      "tpu.region"() ({
        %run_scoped3A = tpu.sem_alloc : memref<!tpu.dma_semaphore, #tpu.memory_space<semaphore_mem>>
        %dma_start3A_16 = arith.constant 0 : i32
        %dma_start3A_17 = tpu.memref_slice %arg4[%add3A_11, %dma_start3A_16] : memref<40960x256xi32, #tpu.memory_space<hbm>> -> memref<128x256xi32, #tpu.memory_space<hbm>>
        %dma_start3A_18 = arith.constant 0 : i32
        %dma_start3A_19 = tpu.memref_slice %arg4[%add3A_11, %dma_start3A_18] : memref<40960x256xi32, #tpu.memory_space<hbm>> -> memref<128x256xi32, #tpu.memory_space<hbm>>
        tpu.enqueue_dma source(%arg6 : memref<128x256xi32, #tpu.memory_space<vmem>>) target(%dma_start3A_19 : memref<128x256xi32, #tpu.memory_space<hbm>>) target_semaphore(%run_scoped3A : memref<!tpu.dma_semaphore, #tpu.memory_space<semaphore_mem>>)
        %dma_wait3A_20 = arith.constant 0 : i32
        %dma_wait3A_21 = tpu.memref_slice %arg4[%add3A_11, %dma_wait3A_20] : memref<40960x256xi32, #tpu.memory_space<hbm>> -> memref<128x256xi32, #tpu.memory_space<hbm>>
        %dma_wait3A_22 = arith.constant 0 : i32
        %dma_wait3A_23 = tpu.memref_slice %arg4[%add3A_11, %dma_wait3A_22] : memref<40960x256xi32, #tpu.memory_space<hbm>> -> memref<128x256xi32, #tpu.memory_space<hbm>>
        tpu.wait_dma2 semaphore(%run_scoped3A : memref<!tpu.dma_semaphore, #tpu.memory_space<semaphore_mem>>) src(%arg6 : memref<128x256xi32, #tpu.memory_space<vmem>>) dst(%dma_wait3A_23 : memref<128x256xi32, #tpu.memory_space<hbm>>)
        tpu.yield
      }) : () -> ()
    }
    %scan3A_7 = arith.constant 10 : i32
    return
  }
}

#map = affine_map<(d0, d1) -> (0, 0)>
#map1 = affine_map<(d0, d1) -> (0)>
module attributes {stable_mosaic.version = 14 : i64} {
  func.func @_gather_body(%arg0: i32, %arg1: i32, %arg2: memref<2048x256xi32, #tpu.memory_space<hbm>>, %arg3: memref<40960xi32, #tpu.memory_space<hbm>>, %arg4: memref<40960x256xi32, #tpu.memory_space<hbm>>, %arg5: memref<128xi32, #tpu.memory_space<vmem>>, %arg6: memref<128x256xi32, #tpu.memory_space<vmem>>, %arg7: memref<!tpu.dma_semaphore, #tpu.memory_space<semaphore_mem>>) attributes {dimension_semantics = [#tpu.dimension_semantics<core_parallel>, #tpu.dimension_semantics<subcore_parallel>], iteration_bounds = array<i64: 2, 16>, scalar_prefetch = 0 : i64, scratch_operands = 3 : i64, tpu.core_type = #tpu.core_type<sc_vector_subcore>, window_params = [{transform_indices = #map}, {transform_indices = #map1}, {transform_indices = #map}]} {
    %mul3A = arith.constant 2 : i32
    %mul3A_0 = arith.muli %arg1, %mul3A : i32
    %add3A = arith.addi %mul3A_0, %arg0 : i32
    %mul3A_1 = arith.constant 1280 : i32
    %mul3A_2 = arith.muli %add3A, %mul3A_1 : i32
    %scan3A = arith.constant 0 : i32
    %scan3A_3 = arith.constant 0 : i32
    %scan3A_4 = arith.constant 10 : i32
    %scan3A_5 = arith.addi %scan3A_3, %scan3A_4 : i32
    %scan3A_6 = arith.constant 1 : i32
    scf.for %scan3A_8 = %scan3A_3 to %scan3A_5 step %scan3A_6  : i32 {
      %mul3A_9 = arith.constant 128 : i32
      %mul3A_10 = arith.muli %scan3A_8, %mul3A_9 : i32
      %add3A_11 = arith.addi %mul3A_2, %mul3A_10 : i32
      "tpu.region"() ({
        %run_scoped3A = tpu.sem_alloc : memref<!tpu.dma_semaphore, #tpu.memory_space<semaphore_mem>>
        %dma_start3A_16 = tpu.memref_slice %arg3[%add3A_11] : memref<40960xi32, #tpu.memory_space<hbm>> -> memref<128xi32, #tpu.memory_space<hbm>>
        %dma_start3A_17 = tpu.memref_slice %arg3[%add3A_11] : memref<40960xi32, #tpu.memory_space<hbm>> -> memref<128xi32, #tpu.memory_space<hbm>>
        tpu.enqueue_dma source(%dma_start3A_17 : memref<128xi32, #tpu.memory_space<hbm>>) target(%arg5 : memref<128xi32, #tpu.memory_space<vmem>>) target_semaphore(%run_scoped3A : memref<!tpu.dma_semaphore, #tpu.memory_space<semaphore_mem>>)
        %dma_wait3A_18 = tpu.memref_slice %arg3[%add3A_11] : memref<40960xi32, #tpu.memory_space<hbm>> -> memref<128xi32, #tpu.memory_space<hbm>>
        %dma_wait3A_19 = tpu.memref_slice %arg3[%add3A_11] : memref<40960xi32, #tpu.memory_space<hbm>> -> memref<128xi32, #tpu.memory_space<hbm>>
        tpu.wait_dma2 semaphore(%run_scoped3A : memref<!tpu.dma_semaphore, #tpu.memory_space<semaphore_mem>>) src(%dma_wait3A_19 : memref<128xi32, #tpu.memory_space<hbm>>) dst(%arg5 : memref<128xi32, #tpu.memory_space<vmem>>)
        tpu.yield
      }) : () -> ()
      %dma_start3A = arith.constant 0 : i32
      %dma_start3A_12 = arith.constant 0 : i32
      %dma_start3A_13 = tpu.memref_slice %arg2[%dma_start3A, %dma_start3A_12] : memref<2048x256xi32, #tpu.memory_space<hbm>> -> memref<2048x256xi32, #tpu.memory_space<hbm>>
      tpu.enqueue_indirect_dma source(%dma_start3A_13 : memref<2048x256xi32, #tpu.memory_space<hbm>>) target(%arg6 : memref<128x256xi32, #tpu.memory_space<vmem>>) offsets(%arg5 : memref<128xi32, #tpu.memory_space<vmem>>) semaphore(%arg7 : memref<!tpu.dma_semaphore, #tpu.memory_space<semaphore_mem>>)
      %dma_wait3A = arith.constant 0 : i32
      %dma_wait3A_14 = arith.constant 0 : i32
      %dma_wait3A_15 = tpu.memref_slice %arg2[%dma_wait3A, %dma_wait3A_14] : memref<2048x256xi32, #tpu.memory_space<hbm>> -> memref<2048x256xi32, #tpu.memory_space<hbm>>
      tpu.wait_indirect_dma semaphore(%arg7 : memref<!tpu.dma_semaphore, #tpu.memory_space<semaphore_mem>>) src(%dma_wait3A_15 : memref<2048x256xi32, #tpu.memory_space<hbm>>) dst(%arg6 : memref<128x256xi32, #tpu.memory_space<vmem>>)
      "tpu.region"() ({
        %run_scoped3A = tpu.sem_alloc : memref<!tpu.dma_semaphore, #tpu.memory_space<semaphore_mem>>
        %dma_start3A_16 = arith.constant 0 : i32
        %dma_start3A_17 = tpu.memref_slice %arg4[%add3A_11, %dma_start3A_16] : memref<40960x256xi32, #tpu.memory_space<hbm>> -> memref<128x256xi32, #tpu.memory_space<hbm>>
        %dma_start3A_18 = arith.constant 0 : i32
        %dma_start3A_19 = tpu.memref_slice %arg4[%add3A_11, %dma_start3A_18] : memref<40960x256xi32, #tpu.memory_space<hbm>> -> memref<128x256xi32, #tpu.memory_space<hbm>>
        tpu.enqueue_dma source(%arg6 : memref<128x256xi32, #tpu.memory_space<vmem>>) target(%dma_start3A_19 : memref<128x256xi32, #tpu.memory_space<hbm>>) target_semaphore(%run_scoped3A : memref<!tpu.dma_semaphore, #tpu.memory_space<semaphore_mem>>)
        %dma_wait3A_20 = arith.constant 0 : i32
        %dma_wait3A_21 = tpu.memref_slice %arg4[%add3A_11, %dma_wait3A_20] : memref<40960x256xi32, #tpu.memory_space<hbm>> -> memref<128x256xi32, #tpu.memory_space<hbm>>
        %dma_wait3A_22 = arith.constant 0 : i32
        %dma_wait3A_23 = tpu.memref_slice %arg4[%add3A_11, %dma_wait3A_22] : memref<40960x256xi32, #tpu.memory_space<hbm>> -> memref<128x256xi32, #tpu.memory_space<hbm>>
        tpu.wait_dma2 semaphore(%run_scoped3A : memref<!tpu.dma_semaphore, #tpu.memory_space<semaphore_mem>>) src(%arg6 : memref<128x256xi32, #tpu.memory_space<vmem>>) dst(%dma_wait3A_23 : memref<128x256xi32, #tpu.memory_space<hbm>>)
        tpu.yield
      }) : () -> ()
    }
    %scan3A_7 = arith.constant 10 : i32
    return
  }
}

module attributes {stable_mosaic.version = 14 : i64} {
  func.func @_knn_body(%arg0: i32, %arg1: memref<512x256xf32, #tpu.memory_space<vmem>>, %arg2: memref<512x2048xf32, #tpu.memory_space<vmem>>, %arg3: memref<40x256xi32, #tpu.memory_space<vmem>>) attributes {dimension_semantics = [#tpu.dimension_semantics<arbitrary>], iteration_bounds = array<i64: 4>, scalar_prefetch = 0 : i64, scratch_operands = 0 : i64, tpu.core_type = #tpu.core_type<tc>, window_params = [{transform_indices = @transform_0, window_bounds = array<i64: 512, 256>}, {pipeline_mode = #tpu.pipeline_mode<synchronous>, transform_indices = @transform_1, window_bounds = array<i64: 512, 2048>}, {transform_indices = @transform_2, window_bounds = array<i64: 40, 256>}]} {
    %get3A = arith.constant 0 : index
    %get3A_0 = arith.constant 0 : index
    %get3A_1 = vector.load %arg1[%get3A, %get3A_0] : memref<512x256xf32, #tpu.memory_space<vmem>>, vector<512x256xf32>
    %get3A_2 = arith.constant 0 : index
    %get3A_3 = arith.constant 0 : index
    %get3A_4 = vector.load %arg2[%get3A_2, %get3A_3] : memref<512x2048xf32, #tpu.memory_space<vmem>>, vector<512x2048xf32>
    %dot_general3A = arith.constant dense<0.000000e+00> : vector<256x2048xf32>
    %dot_general3A_5 = tpu.matmul %get3A_1, %get3A_4, %dot_general3A {dimension_numbers = #tpu.dot_dimension_numbers<[0], [0], [1], [1], [0, 1, 1, 1], [], []>, transpose_lhs_hint = false} : vector<512x256xf32>, vector<512x2048xf32>, vector<256x2048xf32> -> vector<256x2048xf32>
    %mul3A = arith.mulf %get3A_1, %get3A_1 : vector<512x256xf32>
    %reduce_sum3A = arith.constant dense<0.000000e+00> : vector<256xf32>
    %reduce_sum3A_6 = vector.multi_reduction <add>, %mul3A, %reduce_sum3A [0] : vector<512x256xf32> to vector<256xf32>
    %broadcast_in_dim3A = vector.shape_cast %reduce_sum3A_6 : vector<256xf32> to vector<256x1xf32>
    %mul3A_7 = arith.mulf %get3A_4, %get3A_4 : vector<512x2048xf32>
    %reduce_sum3A_8 = arith.constant dense<0.000000e+00> : vector<2048xf32>
    %reduce_sum3A_9 = vector.multi_reduction <add>, %mul3A_7, %reduce_sum3A_8 [0] : vector<512x2048xf32> to vector<2048xf32>
    %broadcast_in_dim3A_10 = vector.shape_cast %reduce_sum3A_9 : vector<2048xf32> to vector<1x2048xf32>
    %mul3A_11 = arith.constant 2.000000e+00 : f32
    %mul3A_12 = vector.broadcast %mul3A_11 : f32 to vector<256x2048xf32>
    %mul3A_13 = arith.mulf %mul3A_12, %dot_general3A_5 : vector<256x2048xf32>
    %sub3A = vector.broadcast %broadcast_in_dim3A : vector<256x1xf32> to vector<256x2048xf32>
    %sub3A_14 = arith.subf %mul3A_13, %sub3A : vector<256x2048xf32>
    %sub3A_15 = vector.broadcast %broadcast_in_dim3A_10 : vector<1x2048xf32> to vector<256x2048xf32>
    %sub3A_16 = arith.subf %sub3A_14, %sub3A_15 : vector<256x2048xf32>
    %iota3A = tpu.iota {dimensions = array<i32: 1>} : vector<256x128xi32>
    %broadcast_in_dim3A_17 = arith.constant 0xFF800000 : f32
    %broadcast_in_dim3A_18 = vector.broadcast %broadcast_in_dim3A_17 : f32 to vector<256x128xf32>
    %broadcast_in_dim3A_19 = arith.constant 2048 : i32
    %broadcast_in_dim3A_20 = vector.broadcast %broadcast_in_dim3A_19 : i32 to vector<256x128xi32>
    %broadcast_in_dim3A_21 = arith.constant 0x7F800000 : f32
    %broadcast_in_dim3A_22 = vector.broadcast %broadcast_in_dim3A_21 : f32 to vector<256xf32>
    %scan3A = arith.constant 0 : i32
    %scan3A_23 = arith.constant 40 : i32
    %scan3A_24 = arith.addi %scan3A, %scan3A_23 : i32
    %scan3A_25 = arith.constant 1 : i32
    %scan3A_26 = scf.for %scan3A_28 = %scan3A to %scan3A_24 step %scan3A_25 iter_args(%scan3A_29 = %broadcast_in_dim3A_22) -> (vector<256xf32>)  : i32 {
      %broadcast_in_dim3A_30 = vector.shape_cast %scan3A_29 : vector<256xf32> to vector<256x1xf32>
      %broadcast_in_dim3A_31 = arith.constant 0 : i32
      %broadcast_in_dim3A_32 = vector.broadcast %broadcast_in_dim3A_31 : i32 to vector<256x128xi32>
      %slice3A = vector.extract_strided_slice %sub3A_16 {offsets = [0, 0], sizes = [256, 128], strides = [1, 1]} : vector<256x2048xf32> to vector<256x128xf32>
      %lt3A = vector.broadcast %broadcast_in_dim3A_30 : vector<256x1xf32> to vector<256x128xf32>
      %lt3A_33 = arith.cmpf olt, %slice3A, %lt3A : vector<256x128xf32>
      %select_n3A = arith.select %lt3A_33, %slice3A, %broadcast_in_dim3A_18 : vector<256x128xi1>, vector<256x128xf32>
      %gt3A = arith.cmpf ogt, %select_n3A, %broadcast_in_dim3A_18 : vector<256x128xf32>
      %select_n3A_34 = arith.select %gt3A, %select_n3A, %broadcast_in_dim3A_18 : vector<256x128xi1>, vector<256x128xf32>
      %jit3A = arith.constant 0 : i32
      %broadcast_in_dim3A_35 = vector.broadcast %jit3A : i32 to vector<256x128xi32>
      %select_n3A_36 = arith.select %gt3A, %broadcast_in_dim3A_35, %broadcast_in_dim3A_32 : vector<256x128xi1>, vector<256x128xi32>
      %slice3A_37 = vector.extract_strided_slice %sub3A_16 {offsets = [0, 128], sizes = [256, 128], strides = [1, 1]} : vector<256x2048xf32> to vector<256x128xf32>
      %lt3A_38 = vector.broadcast %broadcast_in_dim3A_30 : vector<256x1xf32> to vector<256x128xf32>
      %lt3A_39 = arith.cmpf olt, %slice3A_37, %lt3A_38 : vector<256x128xf32>
      %select_n3A_40 = arith.select %lt3A_39, %slice3A_37, %broadcast_in_dim3A_18 : vector<256x128xi1>, vector<256x128xf32>
      %gt3A_41 = arith.cmpf ogt, %select_n3A_40, %select_n3A_34 : vector<256x128xf32>
      %select_n3A_42 = arith.select %gt3A_41, %select_n3A_40, %select_n3A_34 : vector<256x128xi1>, vector<256x128xf32>
      %jit3A_43 = arith.constant 1 : i32
      %broadcast_in_dim3A_44 = vector.broadcast %jit3A_43 : i32 to vector<256x128xi32>
      %select_n3A_45 = arith.select %gt3A_41, %broadcast_in_dim3A_44, %select_n3A_36 : vector<256x128xi1>, vector<256x128xi32>
      %slice3A_46 = vector.extract_strided_slice %sub3A_16 {offsets = [0, 256], sizes = [256, 128], strides = [1, 1]} : vector<256x2048xf32> to vector<256x128xf32>
      %lt3A_47 = vector.broadcast %broadcast_in_dim3A_30 : vector<256x1xf32> to vector<256x128xf32>
      %lt3A_48 = arith.cmpf olt, %slice3A_46, %lt3A_47 : vector<256x128xf32>
      %select_n3A_49 = arith.select %lt3A_48, %slice3A_46, %broadcast_in_dim3A_18 : vector<256x128xi1>, vector<256x128xf32>
      %gt3A_50 = arith.cmpf ogt, %select_n3A_49, %select_n3A_42 : vector<256x128xf32>
      %select_n3A_51 = arith.select %gt3A_50, %select_n3A_49, %select_n3A_42 : vector<256x128xi1>, vector<256x128xf32>
      %jit3A_52 = arith.constant 2 : i32
      %broadcast_in_dim3A_53 = vector.broadcast %jit3A_52 : i32 to vector<256x128xi32>
      %select_n3A_54 = arith.select %gt3A_50, %broadcast_in_dim3A_53, %select_n3A_45 : vector<256x128xi1>, vector<256x128xi32>
      %slice3A_55 = vector.extract_strided_slice %sub3A_16 {offsets = [0, 384], sizes = [256, 128], strides = [1, 1]} : vector<256x2048xf32> to vector<256x128xf32>
      %lt3A_56 = vector.broadcast %broadcast_in_dim3A_30 : vector<256x1xf32> to vector<256x128xf32>
      %lt3A_57 = arith.cmpf olt, %slice3A_55, %lt3A_56 : vector<256x128xf32>
      %select_n3A_58 = arith.select %lt3A_57, %slice3A_55, %broadcast_in_dim3A_18 : vector<256x128xi1>, vector<256x128xf32>
      %gt3A_59 = arith.cmpf ogt, %select_n3A_58, %select_n3A_51 : vector<256x128xf32>
      %select_n3A_60 = arith.select %gt3A_59, %select_n3A_58, %select_n3A_51 : vector<256x128xi1>, vector<256x128xf32>
      %jit3A_61 = arith.constant 3 : i32
      %broadcast_in_dim3A_62 = vector.broadcast %jit3A_61 : i32 to vector<256x128xi32>
      %select_n3A_63 = arith.select %gt3A_59, %broadcast_in_dim3A_62, %select_n3A_54 : vector<256x128xi1>, vector<256x128xi32>
      %slice3A_64 = vector.extract_strided_slice %sub3A_16 {offsets = [0, 512], sizes = [256, 128], strides = [1, 1]} : vector<256x2048xf32> to vector<256x128xf32>
      %lt3A_65 = vector.broadcast %broadcast_in_dim3A_30 : vector<256x1xf32> to vector<256x128xf32>
      %lt3A_66 = arith.cmpf olt, %slice3A_64, %lt3A_65 : vector<256x128xf32>
      %select_n3A_67 = arith.select %lt3A_66, %slice3A_64, %broadcast_in_dim3A_18 : vector<256x128xi1>, vector<256x128xf32>
      %gt3A_68 = arith.cmpf ogt, %select_n3A_67, %select_n3A_60 : vector<256x128xf32>
      %select_n3A_69 = arith.select %gt3A_68, %select_n3A_67, %select_n3A_60 : vector<256x128xi1>, vector<256x128xf32>
      %jit3A_70 = arith.constant 4 : i32
      %broadcast_in_dim3A_71 = vector.broadcast %jit3A_70 : i32 to vector<256x128xi32>
      %select_n3A_72 = arith.select %gt3A_68, %broadcast_in_dim3A_71, %select_n3A_63 : vector<256x128xi1>, vector<256x128xi32>
      %slice3A_73 = vector.extract_strided_slice %sub3A_16 {offsets = [0, 640], sizes = [256, 128], strides = [1, 1]} : vector<256x2048xf32> to vector<256x128xf32>
      %lt3A_74 = vector.broadcast %broadcast_in_dim3A_30 : vector<256x1xf32> to vector<256x128xf32>
      %lt3A_75 = arith.cmpf olt, %slice3A_73, %lt3A_74 : vector<256x128xf32>
      %select_n3A_76 = arith.select %lt3A_75, %slice3A_73, %broadcast_in_dim3A_18 : vector<256x128xi1>, vector<256x128xf32>
      %gt3A_77 = arith.cmpf ogt, %select_n3A_76, %select_n3A_69 : vector<256x128xf32>
      %select_n3A_78 = arith.select %gt3A_77, %select_n3A_76, %select_n3A_69 : vector<256x128xi1>, vector<256x128xf32>
      %jit3A_79 = arith.constant 5 : i32
      %broadcast_in_dim3A_80 = vector.broadcast %jit3A_79 : i32 to vector<256x128xi32>
      %select_n3A_81 = arith.select %gt3A_77, %broadcast_in_dim3A_80, %select_n3A_72 : vector<256x128xi1>, vector<256x128xi32>
      %slice3A_82 = vector.extract_strided_slice %sub3A_16 {offsets = [0, 768], sizes = [256, 128], strides = [1, 1]} : vector<256x2048xf32> to vector<256x128xf32>
      %lt3A_83 = vector.broadcast %broadcast_in_dim3A_30 : vector<256x1xf32> to vector<256x128xf32>
      %lt3A_84 = arith.cmpf olt, %slice3A_82, %lt3A_83 : vector<256x128xf32>
      %select_n3A_85 = arith.select %lt3A_84, %slice3A_82, %broadcast_in_dim3A_18 : vector<256x128xi1>, vector<256x128xf32>
      %gt3A_86 = arith.cmpf ogt, %select_n3A_85, %select_n3A_78 : vector<256x128xf32>
      %select_n3A_87 = arith.select %gt3A_86, %select_n3A_85, %select_n3A_78 : vector<256x128xi1>, vector<256x128xf32>
      %jit3A_88 = arith.constant 6 : i32
      %broadcast_in_dim3A_89 = vector.broadcast %jit3A_88 : i32 to vector<256x128xi32>
      %select_n3A_90 = arith.select %gt3A_86, %broadcast_in_dim3A_89, %select_n3A_81 : vector<256x128xi1>, vector<256x128xi32>
      %slice3A_91 = vector.extract_strided_slice %sub3A_16 {offsets = [0, 896], sizes = [256, 128], strides = [1, 1]} : vector<256x2048xf32> to vector<256x128xf32>
      %lt3A_92 = vector.broadcast %broadcast_in_dim3A_30 : vector<256x1xf32> to vector<256x128xf32>
      %lt3A_93 = arith.cmpf olt, %slice3A_91, %lt3A_92 : vector<256x128xf32>
      %select_n3A_94 = arith.select %lt3A_93, %slice3A_91, %broadcast_in_dim3A_18 : vector<256x128xi1>, vector<256x128xf32>
      %gt3A_95 = arith.cmpf ogt, %select_n3A_94, %select_n3A_87 : vector<256x128xf32>
      %select_n3A_96 = arith.select %gt3A_95, %select_n3A_94, %select_n3A_87 : vector<256x128xi1>, vector<256x128xf32>
      %jit3A_97 = arith.constant 7 : i32
      %broadcast_in_dim3A_98 = vector.broadcast %jit3A_97 : i32 to vector<256x128xi32>
      %select_n3A_99 = arith.select %gt3A_95, %broadcast_in_dim3A_98, %select_n3A_90 : vector<256x128xi1>, vector<256x128xi32>
      %slice3A_100 = vector.extract_strided_slice %sub3A_16 {offsets = [0, 1024], sizes = [256, 128], strides = [1, 1]} : vector<256x2048xf32> to vector<256x128xf32>
      %lt3A_101 = vector.broadcast %broadcast_in_dim3A_30 : vector<256x1xf32> to vector<256x128xf32>
      %lt3A_102 = arith.cmpf olt, %slice3A_100, %lt3A_101 : vector<256x128xf32>
      %select_n3A_103 = arith.select %lt3A_102, %slice3A_100, %broadcast_in_dim3A_18 : vector<256x128xi1>, vector<256x128xf32>
      %gt3A_104 = arith.cmpf ogt, %select_n3A_103, %select_n3A_96 : vector<256x128xf32>
      %select_n3A_105 = arith.select %gt3A_104, %select_n3A_103, %select_n3A_96 : vector<256x128xi1>, vector<256x128xf32>
      %jit3A_106 = arith.constant 8 : i32
      %broadcast_in_dim3A_107 = vector.broadcast %jit3A_106 : i32 to vector<256x128xi32>
      %select_n3A_108 = arith.select %gt3A_104, %broadcast_in_dim3A_107, %select_n3A_99 : vector<256x128xi1>, vector<256x128xi32>
      %slice3A_109 = vector.extract_strided_slice %sub3A_16 {offsets = [0, 1152], sizes = [256, 128], strides = [1, 1]} : vector<256x2048xf32> to vector<256x128xf32>
      %lt3A_110 = vector.broadcast %broadcast_in_dim3A_30 : vector<256x1xf32> to vector<256x128xf32>
      %lt3A_111 = arith.cmpf olt, %slice3A_109, %lt3A_110 : vector<256x128xf32>
      %select_n3A_112 = arith.select %lt3A_111, %slice3A_109, %broadcast_in_dim3A_18 : vector<256x128xi1>, vector<256x128xf32>
      %gt3A_113 = arith.cmpf ogt, %select_n3A_112, %select_n3A_105 : vector<256x128xf32>
      %select_n3A_114 = arith.select %gt3A_113, %select_n3A_112, %select_n3A_105 : vector<256x128xi1>, vector<256x128xf32>
      %jit3A_115 = arith.constant 9 : i32
      %broadcast_in_dim3A_116 = vector.broadcast %jit3A_115 : i32 to vector<256x128xi32>
      %select_n3A_117 = arith.select %gt3A_113, %broadcast_in_dim3A_116, %select_n3A_108 : vector<256x128xi1>, vector<256x128xi32>
      %slice3A_118 = vector.extract_strided_slice %sub3A_16 {offsets = [0, 1280], sizes = [256, 128], strides = [1, 1]} : vector<256x2048xf32> to vector<256x128xf32>
      %lt3A_119 = vector.broadcast %broadcast_in_dim3A_30 : vector<256x1xf32> to vector<256x128xf32>
      %lt3A_120 = arith.cmpf olt, %slice3A_118, %lt3A_119 : vector<256x128xf32>
      %select_n3A_121 = arith.select %lt3A_120, %slice3A_118, %broadcast_in_dim3A_18 : vector<256x128xi1>, vector<256x128xf32>
      %gt3A_122 = arith.cmpf ogt, %select_n3A_121, %select_n3A_114 : vector<256x128xf32>
      %select_n3A_123 = arith.select %gt3A_122, %select_n3A_121, %select_n3A_114 : vector<256x128xi1>, vector<256x128xf32>
      %jit3A_124 = arith.constant 10 : i32
      %broadcast_in_dim3A_125 = vector.broadcast %jit3A_124 : i32 to vector<256x128xi32>
      %select_n3A_126 = arith.select %gt3A_122, %broadcast_in_dim3A_125, %select_n3A_117 : vector<256x128xi1>, vector<256x128xi32>
      %slice3A_127 = vector.extract_strided_slice %sub3A_16 {offsets = [0, 1408], sizes = [256, 128], strides = [1, 1]} : vector<256x2048xf32> to vector<256x128xf32>
      %lt3A_128 = vector.broadcast %broadcast_in_dim3A_30 : vector<256x1xf32> to vector<256x128xf32>
      %lt3A_129 = arith.cmpf olt, %slice3A_127, %lt3A_128 : vector<256x128xf32>
      %select_n3A_130 = arith.select %lt3A_129, %slice3A_127, %broadcast_in_dim3A_18 : vector<256x128xi1>, vector<256x128xf32>
      %gt3A_131 = arith.cmpf ogt, %select_n3A_130, %select_n3A_123 : vector<256x128xf32>
      %select_n3A_132 = arith.select %gt3A_131, %select_n3A_130, %select_n3A_123 : vector<256x128xi1>, vector<256x128xf32>
      %jit3A_133 = arith.constant 11 : i32
      %broadcast_in_dim3A_134 = vector.broadcast %jit3A_133 : i32 to vector<256x128xi32>
      %select_n3A_135 = arith.select %gt3A_131, %broadcast_in_dim3A_134, %select_n3A_126 : vector<256x128xi1>, vector<256x128xi32>
      %slice3A_136 = vector.extract_strided_slice %sub3A_16 {offsets = [0, 1536], sizes = [256, 128], strides = [1, 1]} : vector<256x2048xf32> to vector<256x128xf32>
      %lt3A_137 = vector.broadcast %broadcast_in_dim3A_30 : vector<256x1xf32> to vector<256x128xf32>
      %lt3A_138 = arith.cmpf olt, %slice3A_136, %lt3A_137 : vector<256x128xf32>
      %select_n3A_139 = arith.select %lt3A_138, %slice3A_136, %broadcast_in_dim3A_18 : vector<256x128xi1>, vector<256x128xf32>
      %gt3A_140 = arith.cmpf ogt, %select_n3A_139, %select_n3A_132 : vector<256x128xf32>
      %select_n3A_141 = arith.select %gt3A_140, %select_n3A_139, %select_n3A_132 : vector<256x128xi1>, vector<256x128xf32>
      %jit3A_142 = arith.constant 12 : i32
      %broadcast_in_dim3A_143 = vector.broadcast %jit3A_142 : i32 to vector<256x128xi32>
      %select_n3A_144 = arith.select %gt3A_140, %broadcast_in_dim3A_143, %select_n3A_135 : vector<256x128xi1>, vector<256x128xi32>
      %slice3A_145 = vector.extract_strided_slice %sub3A_16 {offsets = [0, 1664], sizes = [256, 128], strides = [1, 1]} : vector<256x2048xf32> to vector<256x128xf32>
      %lt3A_146 = vector.broadcast %broadcast_in_dim3A_30 : vector<256x1xf32> to vector<256x128xf32>
      %lt3A_147 = arith.cmpf olt, %slice3A_145, %lt3A_146 : vector<256x128xf32>
      %select_n3A_148 = arith.select %lt3A_147, %slice3A_145, %broadcast_in_dim3A_18 : vector<256x128xi1>, vector<256x128xf32>
      %gt3A_149 = arith.cmpf ogt, %select_n3A_148, %select_n3A_141 : vector<256x128xf32>
      %select_n3A_150 = arith.select %gt3A_149, %select_n3A_148, %select_n3A_141 : vector<256x128xi1>, vector<256x128xf32>
      %jit3A_151 = arith.constant 13 : i32
      %broadcast_in_dim3A_152 = vector.broadcast %jit3A_151 : i32 to vector<256x128xi32>
      %select_n3A_153 = arith.select %gt3A_149, %broadcast_in_dim3A_152, %select_n3A_144 : vector<256x128xi1>, vector<256x128xi32>
      %slice3A_154 = vector.extract_strided_slice %sub3A_16 {offsets = [0, 1792], sizes = [256, 128], strides = [1, 1]} : vector<256x2048xf32> to vector<256x128xf32>
      %lt3A_155 = vector.broadcast %broadcast_in_dim3A_30 : vector<256x1xf32> to vector<256x128xf32>
      %lt3A_156 = arith.cmpf olt, %slice3A_154, %lt3A_155 : vector<256x128xf32>
      %select_n3A_157 = arith.select %lt3A_156, %slice3A_154, %broadcast_in_dim3A_18 : vector<256x128xi1>, vector<256x128xf32>
      %gt3A_158 = arith.cmpf ogt, %select_n3A_157, %select_n3A_150 : vector<256x128xf32>
      %select_n3A_159 = arith.select %gt3A_158, %select_n3A_157, %select_n3A_150 : vector<256x128xi1>, vector<256x128xf32>
      %jit3A_160 = arith.constant 14 : i32
      %broadcast_in_dim3A_161 = vector.broadcast %jit3A_160 : i32 to vector<256x128xi32>
      %select_n3A_162 = arith.select %gt3A_158, %broadcast_in_dim3A_161, %select_n3A_153 : vector<256x128xi1>, vector<256x128xi32>
      %slice3A_163 = vector.extract_strided_slice %sub3A_16 {offsets = [0, 1920], sizes = [256, 128], strides = [1, 1]} : vector<256x2048xf32> to vector<256x128xf32>
      %lt3A_164 = vector.broadcast %broadcast_in_dim3A_30 : vector<256x1xf32> to vector<256x128xf32>
      %lt3A_165 = arith.cmpf olt, %slice3A_163, %lt3A_164 : vector<256x128xf32>
      %select_n3A_166 = arith.select %lt3A_165, %slice3A_163, %broadcast_in_dim3A_18 : vector<256x128xi1>, vector<256x128xf32>
      %gt3A_167 = arith.cmpf ogt, %select_n3A_166, %select_n3A_159 : vector<256x128xf32>
      %select_n3A_168 = arith.select %gt3A_167, %select_n3A_166, %select_n3A_159 : vector<256x128xi1>, vector<256x128xf32>
      %jit3A_169 = arith.constant 15 : i32
      %broadcast_in_dim3A_170 = vector.broadcast %jit3A_169 : i32 to vector<256x128xi32>
      %select_n3A_171 = arith.select %gt3A_167, %broadcast_in_dim3A_170, %select_n3A_162 : vector<256x128xi1>, vector<256x128xi32>
      %reduce_max3A = arith.constant dense<0xFF800000> : vector<256xf32>
      %reduce_max3A_172 = vector.multi_reduction <maximumf>, %select_n3A_168, %reduce_max3A [1] : vector<256x128xf32> to vector<256xf32>
      %mul3A_173 = arith.constant 128 : i32
      %mul3A_174 = vector.broadcast %mul3A_173 : i32 to vector<256x128xi32>
      %mul3A_175 = arith.muli %select_n3A_171, %mul3A_174 : vector<256x128xi32>
      %add3A = arith.addi %mul3A_175, %iota3A : vector<256x128xi32>
      %broadcast_in_dim3A_176 = vector.shape_cast %reduce_max3A_172 : vector<256xf32> to vector<256x1xf32>
      %eq3A = vector.broadcast %broadcast_in_dim3A_176 : vector<256x1xf32> to vector<256x128xf32>
      %eq3A_177 = arith.cmpf oeq, %select_n3A_168, %eq3A : vector<256x128xf32>
      %select_n3A_178 = arith.select %eq3A_177, %add3A, %broadcast_in_dim3A_20 : vector<256x128xi1>, vector<256x128xi32>
      %reduce_min3A = arith.constant dense<2147483647> : vector<256xi32>
      %reduce_min3A_179 = vector.multi_reduction <minsi>, %select_n3A_178, %reduce_min3A [1] : vector<256x128xi32> to vector<256xi32>
      %broadcast_in_dim3A_180 = vector.shape_cast %reduce_min3A_179 : vector<256xi32> to vector<1x256xi32>
      %swap3A = arith.index_cast %scan3A_28 : i32 to index
      %swap3A_181 = arith.constant 0 : index
      %swap3A_182 = vector.load %arg3[%swap3A, %swap3A_181] : memref<40x256xi32, #tpu.memory_space<vmem>>, vector<1x256xi32>
      tpu.vector_store %arg3[%swap3A, %swap3A_181], %broadcast_in_dim3A_180 {strides = array<i32>} : memref<40x256xi32, #tpu.memory_space<vmem>>, vector<1x256xi32>,
      scf.yield %reduce_max3A_172 : vector<256xf32>
    }
    %scan3A_27 = arith.constant 40 : i32
    return
  }
  func.func @transform_0(%arg0: i32) -> (i32, i32) {
    %add3A = arith.constant 4 : i32
    %add3A_0 = arith.addi %add3A, %arg0 : i32
    %c0_i32 = arith.constant 0 : i32
    %c0_i32_1 = arith.constant 0 : i32
    return %c0_i32, %add3A_0 : i32, i32
  }
  func.func @transform_1(%arg0: i32) -> (i32, i32) {
    %c0_i32 = arith.constant 0 : i32
    %c0_i32_0 = arith.constant 0 : i32
    %c0_i32_1 = arith.constant 0 : i32
    return %c0_i32, %c0_i32_0 : i32, i32
  }
  func.func @transform_2(%arg0: i32) -> (i32, i32) {
    %c0_i32 = arith.constant 0 : i32
    %c0_i32_0 = arith.constant 0 : i32
    return %c0_i32, %arg0 : i32, i32
  }
}

module attributes {stable_mosaic.version = 14 : i64} {
  func.func @_uv_body(%arg0: memref<512x2048xf32, #tpu.memory_space<vmem>>, %arg1: memref<512x1024xf32, #tpu.memory_space<vmem>>, %arg2: memref<1x512xf32, #tpu.memory_space<vmem>>, %arg3: memref<1x512xf32, #tpu.memory_space<vmem>>, %arg4: memref<2048x256xi32, #tpu.memory_space<vmem>>, %arg5: memref<2048x512xf32, #tpu.memory_space<vmem>>) attributes {dimension_semantics = [], scalar_prefetch = 0 : i64, scratch_operands = 0 : i64, tpu.core_type = #tpu.core_type<tc>} {
    %get3A = arith.constant 0 : index
    %get3A_0 = arith.constant 0 : index
    %get3A_1 = vector.load %arg0[%get3A, %get3A_0] : memref<512x2048xf32, #tpu.memory_space<vmem>>, vector<512x2048xf32>
    %get3A_2 = arith.constant 0 : index
    %get3A_3 = arith.constant 0 : index
    %get3A_4 = vector.load %arg1[%get3A_2, %get3A_3] : memref<512x1024xf32, #tpu.memory_space<vmem>>, vector<512x512xf32>
    %get3A_5 = arith.constant 0 : index
    %get3A_6 = arith.constant 512 : index
    %get3A_7 = vector.load %arg1[%get3A_5, %get3A_6] : memref<512x1024xf32, #tpu.memory_space<vmem>>, vector<512x512xf32>
    %sub3A = arith.subf %get3A_7, %get3A_4 : vector<512x512xf32>
    %dot_general3A = arith.constant dense<0.000000e+00> : vector<2048x512xf32>
    %dot_general3A_8 = tpu.matmul %get3A_1, %get3A_4, %dot_general3A {dimension_numbers = #tpu.dot_dimension_numbers<[0], [1], [1], [0], [0, 1, 1, 0], [], []>, transpose_lhs_hint = false} : vector<512x2048xf32>, vector<512x512xf32>, vector<2048x512xf32> -> vector<2048x512xf32>
    %dot_general3A_9 = arith.constant dense<0.000000e+00> : vector<2048x512xf32>
    %dot_general3A_10 = tpu.matmul %get3A_1, %sub3A, %dot_general3A_9 {dimension_numbers = #tpu.dot_dimension_numbers<[0], [1], [1], [0], [0, 1, 1, 0], [], []>, transpose_lhs_hint = false} : vector<512x2048xf32>, vector<512x512xf32>, vector<2048x512xf32> -> vector<2048x512xf32>
    %get3A_11 = arith.constant 0 : index
    %get3A_12 = arith.constant 0 : index
    %get3A_13 = vector.load %arg2[%get3A_11, %get3A_12] : memref<1x512xf32, #tpu.memory_space<vmem>>, vector<1x512xf32>
    %get3A_14 = vector.shape_cast %get3A_13 : vector<1x512xf32> to vector<512xf32>
    %mul3A = arith.constant 0.999994993 : f32
    %mul3A_15 = vector.broadcast %mul3A : f32 to vector<512xf32>
    %mul3A_16 = arith.mulf %get3A_14, %mul3A_15 : vector<512xf32>
    %broadcast_in_dim3A = vector.shape_cast %mul3A_16 : vector<512xf32> to vector<1x512xf32>
    %mul3A_17 = vector.broadcast %broadcast_in_dim3A : vector<1x512xf32> to vector<2048x512xf32>
    %mul3A_18 = arith.mulf %dot_general3A_8, %mul3A_17 : vector<2048x512xf32>
    %bitcast_convert_type3A = tpu.bitcast %mul3A_18 : vector<2048x512xf32> -> vector<2048x512xi32>
    %add3A = arith.constant 32767 : i32
    %add3A_19 = vector.broadcast %add3A : i32 to vector<2048x512xi32>
    %add3A_20 = arith.addi %bitcast_convert_type3A, %add3A_19 : vector<2048x512xi32>
    %shift_right_arithmetic3A = arith.constant 16 : i32
    %shift_right_arithmetic3A_21 = vector.broadcast %shift_right_arithmetic3A : i32 to vector<2048x512xi32>
    %shift_right_arithmetic3A_22 = arith.shrsi %bitcast_convert_type3A, %shift_right_arithmetic3A_21 : vector<2048x512xi32>
    %and3A = arith.constant 1 : i32
    %and3A_23 = vector.broadcast %and3A : i32 to vector<2048x512xi32>
    %and3A_24 = arith.andi %shift_right_arithmetic3A_22, %and3A_23 : vector<2048x512xi32>
    %add3A_25 = arith.addi %add3A_20, %and3A_24 : vector<2048x512xi32>
    %shift_right_arithmetic3A_26 = arith.constant 16 : i32
    %shift_right_arithmetic3A_27 = vector.broadcast %shift_right_arithmetic3A_26 : i32 to vector<2048x512xi32>
    %shift_right_arithmetic3A_28 = arith.shrsi %add3A_25, %shift_right_arithmetic3A_27 : vector<2048x512xi32>
    %slice3A = vector.extract_strided_slice %shift_right_arithmetic3A_28 {offsets = [0, 0], sizes = [2048, 256], strides = [1, 1]} : vector<2048x512xi32> to vector<2048x256xi32>
    %and3A_29 = arith.constant 65535 : i32
    %and3A_30 = vector.broadcast %and3A_29 : i32 to vector<2048x256xi32>
    %and3A_31 = arith.andi %slice3A, %and3A_30 : vector<2048x256xi32>
    %slice3A_32 = vector.extract_strided_slice %shift_right_arithmetic3A_28 {offsets = [0, 256], sizes = [2048, 256], strides = [1, 1]} : vector<2048x512xi32> to vector<2048x256xi32>
    %shift_left3A = arith.constant 16 : i32
    %shift_left3A_33 = vector.broadcast %shift_left3A : i32 to vector<2048x256xi32>
    %shift_left3A_34 = arith.shli %slice3A_32, %shift_left3A_33 : vector<2048x256xi32>
    %or3A = arith.ori %and3A_31, %shift_left3A_34 : vector<2048x256xi32>
    %swap3A = arith.constant 0 : index
    %swap3A_35 = arith.constant 0 : index
    %swap3A_36 = vector.load %arg4[%swap3A, %swap3A_35] : memref<2048x256xi32, #tpu.memory_space<vmem>>, vector<2048x256xi32>
    tpu.vector_store %arg4[%swap3A, %swap3A_35], %or3A {strides = array<i32>} : memref<2048x256xi32, #tpu.memory_space<vmem>>, vector<2048x256xi32>,
    %mul3A_37 = vector.broadcast %broadcast_in_dim3A : vector<1x512xf32> to vector<2048x512xf32>
    %mul3A_38 = arith.mulf %dot_general3A_10, %mul3A_37 : vector<2048x512xf32>
    %get3A_39 = arith.constant 0 : index
    %get3A_40 = arith.constant 0 : index
    %get3A_41 = vector.load %arg3[%get3A_39, %get3A_40] : memref<1x512xf32, #tpu.memory_space<vmem>>, vector<1x512xf32>
    %get3A_42 = vector.shape_cast %get3A_41 : vector<1x512xf32> to vector<512xf32>
    %broadcast_in_dim3A_43 = vector.shape_cast %get3A_42 : vector<512xf32> to vector<1x512xf32>
    %add3A_44 = vector.broadcast %broadcast_in_dim3A_43 : vector<1x512xf32> to vector<2048x512xf32>
    %add3A_45 = arith.addf %mul3A_38, %add3A_44 : vector<2048x512xf32>
    %swap3A_46 = arith.constant 0 : index
    %swap3A_47 = arith.constant 0 : index
    %swap3A_48 = vector.load %arg5[%swap3A_46, %swap3A_47] : memref<2048x512xf32, #tpu.memory_space<vmem>>, vector<2048x512xf32>
    tpu.vector_store %arg5[%swap3A_46, %swap3A_47], %add3A_45 {strides = array<i32>} : memref<2048x512xf32, #tpu.memory_space<vmem>>, vector<2048x512xf32>,
    return
  }
}

module attributes {stable_mosaic.version = 14 : i64} {
  func.func @_knn_body(%arg0: i32, %arg1: memref<512x256xf32, #tpu.memory_space<vmem>>, %arg2: memref<512x2048xf32, #tpu.memory_space<vmem>>, %arg3: memref<40x256xi32, #tpu.memory_space<vmem>>) attributes {dimension_semantics = [#tpu.dimension_semantics<arbitrary>], iteration_bounds = array<i64: 4>, scalar_prefetch = 0 : i64, scratch_operands = 0 : i64, tpu.core_type = #tpu.core_type<tc>, window_params = [{transform_indices = @transform_0, window_bounds = array<i64: 512, 256>}, {pipeline_mode = #tpu.pipeline_mode<synchronous>, transform_indices = @transform_1, window_bounds = array<i64: 512, 2048>}, {transform_indices = @transform_2, window_bounds = array<i64: 40, 256>}]} {
    %get3A = arith.constant 0 : index
    %get3A_0 = arith.constant 0 : index
    %get3A_1 = vector.load %arg1[%get3A, %get3A_0] : memref<512x256xf32, #tpu.memory_space<vmem>>, vector<512x256xf32>
    %get3A_2 = arith.constant 0 : index
    %get3A_3 = arith.constant 0 : index
    %get3A_4 = vector.load %arg2[%get3A_2, %get3A_3] : memref<512x2048xf32, #tpu.memory_space<vmem>>, vector<512x2048xf32>
    %dot_general3A = arith.constant dense<0.000000e+00> : vector<256x2048xf32>
    %dot_general3A_5 = tpu.matmul %get3A_1, %get3A_4, %dot_general3A {dimension_numbers = #tpu.dot_dimension_numbers<[0], [0], [1], [1], [0, 1, 1, 1], [], []>, transpose_lhs_hint = false} : vector<512x256xf32>, vector<512x2048xf32>, vector<256x2048xf32> -> vector<256x2048xf32>
    %mul3A = arith.mulf %get3A_1, %get3A_1 : vector<512x256xf32>
    %reduce_sum3A = arith.constant dense<0.000000e+00> : vector<256xf32>
    %reduce_sum3A_6 = vector.multi_reduction <add>, %mul3A, %reduce_sum3A [0] : vector<512x256xf32> to vector<256xf32>
    %broadcast_in_dim3A = vector.shape_cast %reduce_sum3A_6 : vector<256xf32> to vector<256x1xf32>
    %mul3A_7 = arith.mulf %get3A_4, %get3A_4 : vector<512x2048xf32>
    %reduce_sum3A_8 = arith.constant dense<0.000000e+00> : vector<2048xf32>
    %reduce_sum3A_9 = vector.multi_reduction <add>, %mul3A_7, %reduce_sum3A_8 [0] : vector<512x2048xf32> to vector<2048xf32>
    %broadcast_in_dim3A_10 = vector.shape_cast %reduce_sum3A_9 : vector<2048xf32> to vector<1x2048xf32>
    %mul3A_11 = arith.constant 2.000000e+00 : f32
    %mul3A_12 = vector.broadcast %mul3A_11 : f32 to vector<256x2048xf32>
    %mul3A_13 = arith.mulf %mul3A_12, %dot_general3A_5 : vector<256x2048xf32>
    %sub3A = vector.broadcast %broadcast_in_dim3A : vector<256x1xf32> to vector<256x2048xf32>
    %sub3A_14 = arith.subf %mul3A_13, %sub3A : vector<256x2048xf32>
    %sub3A_15 = vector.broadcast %broadcast_in_dim3A_10 : vector<1x2048xf32> to vector<256x2048xf32>
    %sub3A_16 = arith.subf %sub3A_14, %sub3A_15 : vector<256x2048xf32>
    %iota3A = tpu.iota {dimensions = array<i32: 1>} : vector<256x128xi32>
    %broadcast_in_dim3A_17 = arith.constant 0xFF800000 : f32
    %broadcast_in_dim3A_18 = vector.broadcast %broadcast_in_dim3A_17 : f32 to vector<256x128xf32>
    %broadcast_in_dim3A_19 = arith.constant 2048 : i32
    %broadcast_in_dim3A_20 = vector.broadcast %broadcast_in_dim3A_19 : i32 to vector<256x128xi32>
    %broadcast_in_dim3A_21 = arith.constant 0x7F800000 : f32
    %broadcast_in_dim3A_22 = vector.broadcast %broadcast_in_dim3A_21 : f32 to vector<256xf32>
    %scan3A = arith.constant 0 : i32
    %scan3A_23 = arith.constant 40 : i32
    %scan3A_24 = arith.addi %scan3A, %scan3A_23 : i32
    %scan3A_25 = arith.constant 1 : i32
    %scan3A_26 = scf.for %scan3A_28 = %scan3A to %scan3A_24 step %scan3A_25 iter_args(%scan3A_29 = %broadcast_in_dim3A_22) -> (vector<256xf32>)  : i32 {
      %broadcast_in_dim3A_30 = vector.shape_cast %scan3A_29 : vector<256xf32> to vector<256x1xf32>
      %broadcast_in_dim3A_31 = arith.constant 0 : i32
      %broadcast_in_dim3A_32 = vector.broadcast %broadcast_in_dim3A_31 : i32 to vector<256x128xi32>
      %slice3A = vector.extract_strided_slice %sub3A_16 {offsets = [0, 0], sizes = [256, 128], strides = [1, 1]} : vector<256x2048xf32> to vector<256x128xf32>
      %lt3A = vector.broadcast %broadcast_in_dim3A_30 : vector<256x1xf32> to vector<256x128xf32>
      %lt3A_33 = arith.cmpf olt, %slice3A, %lt3A : vector<256x128xf32>
      %select_n3A = arith.select %lt3A_33, %slice3A, %broadcast_in_dim3A_18 : vector<256x128xi1>, vector<256x128xf32>
      %gt3A = arith.cmpf ogt, %select_n3A, %broadcast_in_dim3A_18 : vector<256x128xf32>
      %select_n3A_34 = arith.select %gt3A, %select_n3A, %broadcast_in_dim3A_18 : vector<256x128xi1>, vector<256x128xf32>
      %jit3A = arith.constant 0 : i32
      %broadcast_in_dim3A_35 = vector.broadcast %jit3A : i32 to vector<256x128xi32>
      %select_n3A_36 = arith.select %gt3A, %broadcast_in_dim3A_35, %broadcast_in_dim3A_32 : vector<256x128xi1>, vector<256x128xi32>
      %slice3A_37 = vector.extract_strided_slice %sub3A_16 {offsets = [0, 128], sizes = [256, 128], strides = [1, 1]} : vector<256x2048xf32> to vector<256x128xf32>
      %lt3A_38 = vector.broadcast %broadcast_in_dim3A_30 : vector<256x1xf32> to vector<256x128xf32>
      %lt3A_39 = arith.cmpf olt, %slice3A_37, %lt3A_38 : vector<256x128xf32>
      %select_n3A_40 = arith.select %lt3A_39, %slice3A_37, %broadcast_in_dim3A_18 : vector<256x128xi1>, vector<256x128xf32>
      %gt3A_41 = arith.cmpf ogt, %select_n3A_40, %select_n3A_34 : vector<256x128xf32>
      %select_n3A_42 = arith.select %gt3A_41, %select_n3A_40, %select_n3A_34 : vector<256x128xi1>, vector<256x128xf32>
      %jit3A_43 = arith.constant 1 : i32
      %broadcast_in_dim3A_44 = vector.broadcast %jit3A_43 : i32 to vector<256x128xi32>
      %select_n3A_45 = arith.select %gt3A_41, %broadcast_in_dim3A_44, %select_n3A_36 : vector<256x128xi1>, vector<256x128xi32>
      %slice3A_46 = vector.extract_strided_slice %sub3A_16 {offsets = [0, 256], sizes = [256, 128], strides = [1, 1]} : vector<256x2048xf32> to vector<256x128xf32>
      %lt3A_47 = vector.broadcast %broadcast_in_dim3A_30 : vector<256x1xf32> to vector<256x128xf32>
      %lt3A_48 = arith.cmpf olt, %slice3A_46, %lt3A_47 : vector<256x128xf32>
      %select_n3A_49 = arith.select %lt3A_48, %slice3A_46, %broadcast_in_dim3A_18 : vector<256x128xi1>, vector<256x128xf32>
      %gt3A_50 = arith.cmpf ogt, %select_n3A_49, %select_n3A_42 : vector<256x128xf32>
      %select_n3A_51 = arith.select %gt3A_50, %select_n3A_49, %select_n3A_42 : vector<256x128xi1>, vector<256x128xf32>
      %jit3A_52 = arith.constant 2 : i32
      %broadcast_in_dim3A_53 = vector.broadcast %jit3A_52 : i32 to vector<256x128xi32>
      %select_n3A_54 = arith.select %gt3A_50, %broadcast_in_dim3A_53, %select_n3A_45 : vector<256x128xi1>, vector<256x128xi32>
      %slice3A_55 = vector.extract_strided_slice %sub3A_16 {offsets = [0, 384], sizes = [256, 128], strides = [1, 1]} : vector<256x2048xf32> to vector<256x128xf32>
      %lt3A_56 = vector.broadcast %broadcast_in_dim3A_30 : vector<256x1xf32> to vector<256x128xf32>
      %lt3A_57 = arith.cmpf olt, %slice3A_55, %lt3A_56 : vector<256x128xf32>
      %select_n3A_58 = arith.select %lt3A_57, %slice3A_55, %broadcast_in_dim3A_18 : vector<256x128xi1>, vector<256x128xf32>
      %gt3A_59 = arith.cmpf ogt, %select_n3A_58, %select_n3A_51 : vector<256x128xf32>
      %select_n3A_60 = arith.select %gt3A_59, %select_n3A_58, %select_n3A_51 : vector<256x128xi1>, vector<256x128xf32>
      %jit3A_61 = arith.constant 3 : i32
      %broadcast_in_dim3A_62 = vector.broadcast %jit3A_61 : i32 to vector<256x128xi32>
      %select_n3A_63 = arith.select %gt3A_59, %broadcast_in_dim3A_62, %select_n3A_54 : vector<256x128xi1>, vector<256x128xi32>
      %slice3A_64 = vector.extract_strided_slice %sub3A_16 {offsets = [0, 512], sizes = [256, 128], strides = [1, 1]} : vector<256x2048xf32> to vector<256x128xf32>
      %lt3A_65 = vector.broadcast %broadcast_in_dim3A_30 : vector<256x1xf32> to vector<256x128xf32>
      %lt3A_66 = arith.cmpf olt, %slice3A_64, %lt3A_65 : vector<256x128xf32>
      %select_n3A_67 = arith.select %lt3A_66, %slice3A_64, %broadcast_in_dim3A_18 : vector<256x128xi1>, vector<256x128xf32>
      %gt3A_68 = arith.cmpf ogt, %select_n3A_67, %select_n3A_60 : vector<256x128xf32>
      %select_n3A_69 = arith.select %gt3A_68, %select_n3A_67, %select_n3A_60 : vector<256x128xi1>, vector<256x128xf32>
      %jit3A_70 = arith.constant 4 : i32
      %broadcast_in_dim3A_71 = vector.broadcast %jit3A_70 : i32 to vector<256x128xi32>
      %select_n3A_72 = arith.select %gt3A_68, %broadcast_in_dim3A_71, %select_n3A_63 : vector<256x128xi1>, vector<256x128xi32>
      %slice3A_73 = vector.extract_strided_slice %sub3A_16 {offsets = [0, 640], sizes = [256, 128], strides = [1, 1]} : vector<256x2048xf32> to vector<256x128xf32>
      %lt3A_74 = vector.broadcast %broadcast_in_dim3A_30 : vector<256x1xf32> to vector<256x128xf32>
      %lt3A_75 = arith.cmpf olt, %slice3A_73, %lt3A_74 : vector<256x128xf32>
      %select_n3A_76 = arith.select %lt3A_75, %slice3A_73, %broadcast_in_dim3A_18 : vector<256x128xi1>, vector<256x128xf32>
      %gt3A_77 = arith.cmpf ogt, %select_n3A_76, %select_n3A_69 : vector<256x128xf32>
      %select_n3A_78 = arith.select %gt3A_77, %select_n3A_76, %select_n3A_69 : vector<256x128xi1>, vector<256x128xf32>
      %jit3A_79 = arith.constant 5 : i32
      %broadcast_in_dim3A_80 = vector.broadcast %jit3A_79 : i32 to vector<256x128xi32>
      %select_n3A_81 = arith.select %gt3A_77, %broadcast_in_dim3A_80, %select_n3A_72 : vector<256x128xi1>, vector<256x128xi32>
      %slice3A_82 = vector.extract_strided_slice %sub3A_16 {offsets = [0, 768], sizes = [256, 128], strides = [1, 1]} : vector<256x2048xf32> to vector<256x128xf32>
      %lt3A_83 = vector.broadcast %broadcast_in_dim3A_30 : vector<256x1xf32> to vector<256x128xf32>
      %lt3A_84 = arith.cmpf olt, %slice3A_82, %lt3A_83 : vector<256x128xf32>
      %select_n3A_85 = arith.select %lt3A_84, %slice3A_82, %broadcast_in_dim3A_18 : vector<256x128xi1>, vector<256x128xf32>
      %gt3A_86 = arith.cmpf ogt, %select_n3A_85, %select_n3A_78 : vector<256x128xf32>
      %select_n3A_87 = arith.select %gt3A_86, %select_n3A_85, %select_n3A_78 : vector<256x128xi1>, vector<256x128xf32>
      %jit3A_88 = arith.constant 6 : i32
      %broadcast_in_dim3A_89 = vector.broadcast %jit3A_88 : i32 to vector<256x128xi32>
      %select_n3A_90 = arith.select %gt3A_86, %broadcast_in_dim3A_89, %select_n3A_81 : vector<256x128xi1>, vector<256x128xi32>
      %slice3A_91 = vector.extract_strided_slice %sub3A_16 {offsets = [0, 896], sizes = [256, 128], strides = [1, 1]} : vector<256x2048xf32> to vector<256x128xf32>
      %lt3A_92 = vector.broadcast %broadcast_in_dim3A_30 : vector<256x1xf32> to vector<256x128xf32>
      %lt3A_93 = arith.cmpf olt, %slice3A_91, %lt3A_92 : vector<256x128xf32>
      %select_n3A_94 = arith.select %lt3A_93, %slice3A_91, %broadcast_in_dim3A_18 : vector<256x128xi1>, vector<256x128xf32>
      %gt3A_95 = arith.cmpf ogt, %select_n3A_94, %select_n3A_87 : vector<256x128xf32>
      %select_n3A_96 = arith.select %gt3A_95, %select_n3A_94, %select_n3A_87 : vector<256x128xi1>, vector<256x128xf32>
      %jit3A_97 = arith.constant 7 : i32
      %broadcast_in_dim3A_98 = vector.broadcast %jit3A_97 : i32 to vector<256x128xi32>
      %select_n3A_99 = arith.select %gt3A_95, %broadcast_in_dim3A_98, %select_n3A_90 : vector<256x128xi1>, vector<256x128xi32>
      %slice3A_100 = vector.extract_strided_slice %sub3A_16 {offsets = [0, 1024], sizes = [256, 128], strides = [1, 1]} : vector<256x2048xf32> to vector<256x128xf32>
      %lt3A_101 = vector.broadcast %broadcast_in_dim3A_30 : vector<256x1xf32> to vector<256x128xf32>
      %lt3A_102 = arith.cmpf olt, %slice3A_100, %lt3A_101 : vector<256x128xf32>
      %select_n3A_103 = arith.select %lt3A_102, %slice3A_100, %broadcast_in_dim3A_18 : vector<256x128xi1>, vector<256x128xf32>
      %gt3A_104 = arith.cmpf ogt, %select_n3A_103, %select_n3A_96 : vector<256x128xf32>
      %select_n3A_105 = arith.select %gt3A_104, %select_n3A_103, %select_n3A_96 : vector<256x128xi1>, vector<256x128xf32>
      %jit3A_106 = arith.constant 8 : i32
      %broadcast_in_dim3A_107 = vector.broadcast %jit3A_106 : i32 to vector<256x128xi32>
      %select_n3A_108 = arith.select %gt3A_104, %broadcast_in_dim3A_107, %select_n3A_99 : vector<256x128xi1>, vector<256x128xi32>
      %slice3A_109 = vector.extract_strided_slice %sub3A_16 {offsets = [0, 1152], sizes = [256, 128], strides = [1, 1]} : vector<256x2048xf32> to vector<256x128xf32>
      %lt3A_110 = vector.broadcast %broadcast_in_dim3A_30 : vector<256x1xf32> to vector<256x128xf32>
      %lt3A_111 = arith.cmpf olt, %slice3A_109, %lt3A_110 : vector<256x128xf32>
      %select_n3A_112 = arith.select %lt3A_111, %slice3A_109, %broadcast_in_dim3A_18 : vector<256x128xi1>, vector<256x128xf32>
      %gt3A_113 = arith.cmpf ogt, %select_n3A_112, %select_n3A_105 : vector<256x128xf32>
      %select_n3A_114 = arith.select %gt3A_113, %select_n3A_112, %select_n3A_105 : vector<256x128xi1>, vector<256x128xf32>
      %jit3A_115 = arith.constant 9 : i32
      %broadcast_in_dim3A_116 = vector.broadcast %jit3A_115 : i32 to vector<256x128xi32>
      %select_n3A_117 = arith.select %gt3A_113, %broadcast_in_dim3A_116, %select_n3A_108 : vector<256x128xi1>, vector<256x128xi32>
      %slice3A_118 = vector.extract_strided_slice %sub3A_16 {offsets = [0, 1280], sizes = [256, 128], strides = [1, 1]} : vector<256x2048xf32> to vector<256x128xf32>
      %lt3A_119 = vector.broadcast %broadcast_in_dim3A_30 : vector<256x1xf32> to vector<256x128xf32>
      %lt3A_120 = arith.cmpf olt, %slice3A_118, %lt3A_119 : vector<256x128xf32>
      %select_n3A_121 = arith.select %lt3A_120, %slice3A_118, %broadcast_in_dim3A_18 : vector<256x128xi1>, vector<256x128xf32>
      %gt3A_122 = arith.cmpf ogt, %select_n3A_121, %select_n3A_114 : vector<256x128xf32>
      %select_n3A_123 = arith.select %gt3A_122, %select_n3A_121, %select_n3A_114 : vector<256x128xi1>, vector<256x128xf32>
      %jit3A_124 = arith.constant 10 : i32
      %broadcast_in_dim3A_125 = vector.broadcast %jit3A_124 : i32 to vector<256x128xi32>
      %select_n3A_126 = arith.select %gt3A_122, %broadcast_in_dim3A_125, %select_n3A_117 : vector<256x128xi1>, vector<256x128xi32>
      %slice3A_127 = vector.extract_strided_slice %sub3A_16 {offsets = [0, 1408], sizes = [256, 128], strides = [1, 1]} : vector<256x2048xf32> to vector<256x128xf32>
      %lt3A_128 = vector.broadcast %broadcast_in_dim3A_30 : vector<256x1xf32> to vector<256x128xf32>
      %lt3A_129 = arith.cmpf olt, %slice3A_127, %lt3A_128 : vector<256x128xf32>
      %select_n3A_130 = arith.select %lt3A_129, %slice3A_127, %broadcast_in_dim3A_18 : vector<256x128xi1>, vector<256x128xf32>
      %gt3A_131 = arith.cmpf ogt, %select_n3A_130, %select_n3A_123 : vector<256x128xf32>
      %select_n3A_132 = arith.select %gt3A_131, %select_n3A_130, %select_n3A_123 : vector<256x128xi1>, vector<256x128xf32>
      %jit3A_133 = arith.constant 11 : i32
      %broadcast_in_dim3A_134 = vector.broadcast %jit3A_133 : i32 to vector<256x128xi32>
      %select_n3A_135 = arith.select %gt3A_131, %broadcast_in_dim3A_134, %select_n3A_126 : vector<256x128xi1>, vector<256x128xi32>
      %slice3A_136 = vector.extract_strided_slice %sub3A_16 {offsets = [0, 1536], sizes = [256, 128], strides = [1, 1]} : vector<256x2048xf32> to vector<256x128xf32>
      %lt3A_137 = vector.broadcast %broadcast_in_dim3A_30 : vector<256x1xf32> to vector<256x128xf32>
      %lt3A_138 = arith.cmpf olt, %slice3A_136, %lt3A_137 : vector<256x128xf32>
      %select_n3A_139 = arith.select %lt3A_138, %slice3A_136, %broadcast_in_dim3A_18 : vector<256x128xi1>, vector<256x128xf32>
      %gt3A_140 = arith.cmpf ogt, %select_n3A_139, %select_n3A_132 : vector<256x128xf32>
      %select_n3A_141 = arith.select %gt3A_140, %select_n3A_139, %select_n3A_132 : vector<256x128xi1>, vector<256x128xf32>
      %jit3A_142 = arith.constant 12 : i32
      %broadcast_in_dim3A_143 = vector.broadcast %jit3A_142 : i32 to vector<256x128xi32>
      %select_n3A_144 = arith.select %gt3A_140, %broadcast_in_dim3A_143, %select_n3A_135 : vector<256x128xi1>, vector<256x128xi32>
      %slice3A_145 = vector.extract_strided_slice %sub3A_16 {offsets = [0, 1664], sizes = [256, 128], strides = [1, 1]} : vector<256x2048xf32> to vector<256x128xf32>
      %lt3A_146 = vector.broadcast %broadcast_in_dim3A_30 : vector<256x1xf32> to vector<256x128xf32>
      %lt3A_147 = arith.cmpf olt, %slice3A_145, %lt3A_146 : vector<256x128xf32>
      %select_n3A_148 = arith.select %lt3A_147, %slice3A_145, %broadcast_in_dim3A_18 : vector<256x128xi1>, vector<256x128xf32>
      %gt3A_149 = arith.cmpf ogt, %select_n3A_148, %select_n3A_141 : vector<256x128xf32>
      %select_n3A_150 = arith.select %gt3A_149, %select_n3A_148, %select_n3A_141 : vector<256x128xi1>, vector<256x128xf32>
      %jit3A_151 = arith.constant 13 : i32
      %broadcast_in_dim3A_152 = vector.broadcast %jit3A_151 : i32 to vector<256x128xi32>
      %select_n3A_153 = arith.select %gt3A_149, %broadcast_in_dim3A_152, %select_n3A_144 : vector<256x128xi1>, vector<256x128xi32>
      %slice3A_154 = vector.extract_strided_slice %sub3A_16 {offsets = [0, 1792], sizes = [256, 128], strides = [1, 1]} : vector<256x2048xf32> to vector<256x128xf32>
      %lt3A_155 = vector.broadcast %broadcast_in_dim3A_30 : vector<256x1xf32> to vector<256x128xf32>
      %lt3A_156 = arith.cmpf olt, %slice3A_154, %lt3A_155 : vector<256x128xf32>
      %select_n3A_157 = arith.select %lt3A_156, %slice3A_154, %broadcast_in_dim3A_18 : vector<256x128xi1>, vector<256x128xf32>
      %gt3A_158 = arith.cmpf ogt, %select_n3A_157, %select_n3A_150 : vector<256x128xf32>
      %select_n3A_159 = arith.select %gt3A_158, %select_n3A_157, %select_n3A_150 : vector<256x128xi1>, vector<256x128xf32>
      %jit3A_160 = arith.constant 14 : i32
      %broadcast_in_dim3A_161 = vector.broadcast %jit3A_160 : i32 to vector<256x128xi32>
      %select_n3A_162 = arith.select %gt3A_158, %broadcast_in_dim3A_161, %select_n3A_153 : vector<256x128xi1>, vector<256x128xi32>
      %slice3A_163 = vector.extract_strided_slice %sub3A_16 {offsets = [0, 1920], sizes = [256, 128], strides = [1, 1]} : vector<256x2048xf32> to vector<256x128xf32>
      %lt3A_164 = vector.broadcast %broadcast_in_dim3A_30 : vector<256x1xf32> to vector<256x128xf32>
      %lt3A_165 = arith.cmpf olt, %slice3A_163, %lt3A_164 : vector<256x128xf32>
      %select_n3A_166 = arith.select %lt3A_165, %slice3A_163, %broadcast_in_dim3A_18 : vector<256x128xi1>, vector<256x128xf32>
      %gt3A_167 = arith.cmpf ogt, %select_n3A_166, %select_n3A_159 : vector<256x128xf32>
      %select_n3A_168 = arith.select %gt3A_167, %select_n3A_166, %select_n3A_159 : vector<256x128xi1>, vector<256x128xf32>
      %jit3A_169 = arith.constant 15 : i32
      %broadcast_in_dim3A_170 = vector.broadcast %jit3A_169 : i32 to vector<256x128xi32>
      %select_n3A_171 = arith.select %gt3A_167, %broadcast_in_dim3A_170, %select_n3A_162 : vector<256x128xi1>, vector<256x128xi32>
      %reduce_max3A = arith.constant dense<0xFF800000> : vector<256xf32>
      %reduce_max3A_172 = vector.multi_reduction <maximumf>, %select_n3A_168, %reduce_max3A [1] : vector<256x128xf32> to vector<256xf32>
      %mul3A_173 = arith.constant 128 : i32
      %mul3A_174 = vector.broadcast %mul3A_173 : i32 to vector<256x128xi32>
      %mul3A_175 = arith.muli %select_n3A_171, %mul3A_174 : vector<256x128xi32>
      %add3A = arith.addi %mul3A_175, %iota3A : vector<256x128xi32>
      %broadcast_in_dim3A_176 = vector.shape_cast %reduce_max3A_172 : vector<256xf32> to vector<256x1xf32>
      %eq3A = vector.broadcast %broadcast_in_dim3A_176 : vector<256x1xf32> to vector<256x128xf32>
      %eq3A_177 = arith.cmpf oeq, %select_n3A_168, %eq3A : vector<256x128xf32>
      %select_n3A_178 = arith.select %eq3A_177, %add3A, %broadcast_in_dim3A_20 : vector<256x128xi1>, vector<256x128xi32>
      %reduce_min3A = arith.constant dense<2147483647> : vector<256xi32>
      %reduce_min3A_179 = vector.multi_reduction <minsi>, %select_n3A_178, %reduce_min3A [1] : vector<256x128xi32> to vector<256xi32>
      %broadcast_in_dim3A_180 = vector.shape_cast %reduce_min3A_179 : vector<256xi32> to vector<1x256xi32>
      %swap3A = arith.index_cast %scan3A_28 : i32 to index
      %swap3A_181 = arith.constant 0 : index
      %swap3A_182 = vector.load %arg3[%swap3A, %swap3A_181] : memref<40x256xi32, #tpu.memory_space<vmem>>, vector<1x256xi32>
      tpu.vector_store %arg3[%swap3A, %swap3A_181], %broadcast_in_dim3A_180 {strides = array<i32>} : memref<40x256xi32, #tpu.memory_space<vmem>>, vector<1x256xi32>,
      scf.yield %reduce_max3A_172 : vector<256xf32>
    }
    %scan3A_27 = arith.constant 40 : i32
    return
  }
  func.func @transform_0(%arg0: i32) -> (i32, i32) {
    %add3A = arith.constant 0 : i32
    %add3A_0 = arith.addi %add3A, %arg0 : i32
    %c0_i32 = arith.constant 0 : i32
    %c0_i32_1 = arith.constant 0 : i32
    return %c0_i32, %add3A_0 : i32, i32
  }
  func.func @transform_1(%arg0: i32) -> (i32, i32) {
    %c0_i32 = arith.constant 0 : i32
    %c0_i32_0 = arith.constant 0 : i32
    %c0_i32_1 = arith.constant 0 : i32
    return %c0_i32, %c0_i32_0 : i32, i32
  }
  func.func @transform_2(%arg0: i32) -> (i32, i32) {
    %c0_i32 = arith.constant 0 : i32
    %c0_i32_0 = arith.constant 0 : i32
    return %c0_i32, %arg0 : i32, i32
  }
}

module attributes {stable_mosaic.version = 14 : i64} {
  func.func @_conv2_body(%arg0: i32, %arg1: memref<1024x256xi32, #tpu.memory_space<vmem>>, %arg2: memref<1024x256xi32, #tpu.memory_space<vmem>>, %arg3: memref<2048x512xf32, #tpu.memory_space<vmem>>, %arg4: memref<515x2048xf32, #tpu.memory_space<vmem>>, %arg5: memref<1x515xf32, #tpu.memory_space<vmem>>, %arg6: memref<1x515xf32, #tpu.memory_space<vmem>>, %arg7: memref<515x512xf32, #tpu.memory_space<vmem>>) attributes {dimension_semantics = [#tpu.dimension_semantics<arbitrary>], iteration_bounds = array<i64: 40>, scalar_prefetch = 0 : i64, scratch_operands = 0 : i64, tpu.core_type = #tpu.core_type<tc>, window_params = [{transform_indices = @transform_0, window_bounds = array<i64: 1024, 256>}, {transform_indices = @transform_1, window_bounds = array<i64: 1024, 256>}, {pipeline_mode = #tpu.pipeline_mode<synchronous>, transform_indices = @transform_2, window_bounds = array<i64: 2048, 512>}, {pipeline_mode = #tpu.pipeline_mode<synchronous>, transform_indices = @transform_3, window_bounds = array<i64: 515, 2048>}, {pipeline_mode = #tpu.pipeline_mode<synchronous>, transform_indices = @transform_4, window_bounds = array<i64: 1, 515>}, {pipeline_mode = #tpu.pipeline_mode<synchronous>, transform_indices = @transform_5, window_bounds = array<i64: 1, 515>}, {pipeline_mode = #tpu.pipeline_mode<synchronous>, transform_indices = @transform_6, window_bounds = array<i64: 515, 512>}]} {
    %get3A = arith.constant 0 : index
    %get3A_0 = arith.constant 0 : index
    %get3A_1 = vector.load %arg1[%get3A, %get3A_0] : memref<1024x256xi32, #tpu.memory_space<vmem>>, vector<1024x256xi32>
    %get3A_2 = arith.constant 0 : index
    %get3A_3 = arith.constant 0 : index
    %get3A_4 = vector.load %arg2[%get3A_2, %get3A_3] : memref<1024x256xi32, #tpu.memory_space<vmem>>, vector<1024x256xi32>
    %concatenate3A = tpu.concatenate %get3A_1, %get3A_4 in 0 : vector<1024x256xi32>, vector<1024x256xi32> -> vector<2048x256xi32>
    %shift_left3A = arith.constant 16 : i32
    %shift_left3A_5 = vector.broadcast %shift_left3A : i32 to vector<2048x256xi32>
    %shift_left3A_6 = arith.shli %concatenate3A, %shift_left3A_5 : vector<2048x256xi32>
    %bitcast_convert_type3A = tpu.bitcast %shift_left3A_6 : vector<2048x256xi32> -> vector<2048x256xf32>
    %and3A = arith.constant -65536 : i32
    %and3A_7 = vector.broadcast %and3A : i32 to vector<2048x256xi32>
    %and3A_8 = arith.andi %concatenate3A, %and3A_7 : vector<2048x256xi32>
    %bitcast_convert_type3A_9 = tpu.bitcast %and3A_8 : vector<2048x256xi32> -> vector<2048x256xf32>
    %concatenate3A_10 = tpu.concatenate %bitcast_convert_type3A, %bitcast_convert_type3A_9 in 1 : vector<2048x256xf32>, vector<2048x256xf32> -> vector<2048x512xf32>
    %get3A_11 = arith.constant 0 : index
    %get3A_12 = arith.constant 0 : index
    %get3A_13 = vector.load %arg3[%get3A_11, %get3A_12] : memref<2048x512xf32, #tpu.memory_space<vmem>>, vector<2048x512xf32>
    %add3A = arith.addf %concatenate3A_10, %get3A_13 : vector<2048x512xf32>
    %mul3A = arith.constant 2.000000e-01 : f32
    %mul3A_14 = vector.broadcast %mul3A : f32 to vector<2048x512xf32>
    %mul3A_15 = arith.mulf %mul3A_14, %add3A : vector<2048x512xf32>
    %max3A = arith.maximumf %add3A, %mul3A_15 : vector<2048x512xf32>
    %get3A_16 = arith.constant 0 : index
    %get3A_17 = arith.constant 0 : index
    %get3A_18 = vector.load %arg4[%get3A_16, %get3A_17] : memref<515x2048xf32, #tpu.memory_space<vmem>>, vector<515x2048xf32>
    %dot_general3A = arith.constant dense<0.000000e+00> : vector<515x512xf32>
    %dot_general3A_19 = tpu.matmul %get3A_18, %max3A, %dot_general3A {dimension_numbers = #tpu.dot_dimension_numbers<[1], [0], [0], [1], [0, 0, 1, 1], [], []>, transpose_lhs_hint = false} : vector<515x2048xf32>, vector<2048x512xf32>, vector<515x512xf32> -> vector<515x512xf32>
    %get3A_20 = arith.constant 0 : index
    %get3A_21 = arith.constant 0 : index
    %get3A_22 = vector.load %arg5[%get3A_20, %get3A_21] : memref<1x515xf32, #tpu.memory_space<vmem>>, vector<1x515xf32>
    %get3A_23 = vector.shape_cast %get3A_22 : vector<1x515xf32> to vector<515xf32>
    %mul3A_24 = arith.constant 0.999994993 : f32
    %mul3A_25 = vector.broadcast %mul3A_24 : f32 to vector<515xf32>
    %mul3A_26 = arith.mulf %get3A_23, %mul3A_25 : vector<515xf32>
    %broadcast_in_dim3A = vector.shape_cast %mul3A_26 : vector<515xf32> to vector<515x1xf32>
    %mul3A_27 = vector.broadcast %broadcast_in_dim3A : vector<515x1xf32> to vector<515x512xf32>
    %mul3A_28 = arith.mulf %dot_general3A_19, %mul3A_27 : vector<515x512xf32>
    %get3A_29 = arith.constant 0 : index
    %get3A_30 = arith.constant 0 : index
    %get3A_31 = vector.load %arg6[%get3A_29, %get3A_30] : memref<1x515xf32, #tpu.memory_space<vmem>>, vector<1x515xf32>
    %get3A_32 = vector.shape_cast %get3A_31 : vector<1x515xf32> to vector<515xf32>
    %broadcast_in_dim3A_33 = vector.shape_cast %get3A_32 : vector<515xf32> to vector<515x1xf32>
    %add3A_34 = vector.broadcast %broadcast_in_dim3A_33 : vector<515x1xf32> to vector<515x512xf32>
    %add3A_35 = arith.addf %mul3A_28, %add3A_34 : vector<515x512xf32>
    %mul3A_36 = arith.constant 2.000000e-01 : f32
    %mul3A_37 = vector.broadcast %mul3A_36 : f32 to vector<515x512xf32>
    %mul3A_38 = arith.mulf %mul3A_37, %add3A_35 : vector<515x512xf32>
    %max3A_39 = arith.maximumf %add3A_35, %mul3A_38 : vector<515x512xf32>
    %eq3A = arith.constant 0 : i32
    %eq3A_40 = arith.cmpi eq, %arg0, %eq3A : i32
    %convert_element_type3A = arith.extui %eq3A_40 : i1 to i32
    %cond3A = arith.constant 0 : i32
    %cond3A_41 = arith.cmpi ne, %convert_element_type3A, %cond3A : i32
    scf.if %cond3A_41 {
      %swap3A = arith.constant 0 : index
      %swap3A_46 = arith.constant 0 : index
      %swap3A_47 = vector.load %arg7[%swap3A, %swap3A_46] : memref<515x512xf32, #tpu.memory_space<vmem>>, vector<515x512xf32>
      tpu.vector_store %arg7[%swap3A, %swap3A_46], %max3A_39 {strides = array<i32>} : memref<515x512xf32, #tpu.memory_space<vmem>>, vector<515x512xf32>,
    } else {
    }
    %gt3A = arith.constant 0 : i32
    %gt3A_42 = arith.cmpi sgt, %arg0, %gt3A : i32
    %convert_element_type3A_43 = arith.extui %gt3A_42 : i1 to i32
    %cond3A_44 = arith.constant 0 : i32
    %cond3A_45 = arith.cmpi ne, %convert_element_type3A_43, %cond3A_44 : i32
    scf.if %cond3A_45 {
      %get3A_46 = arith.constant 0 : index
      %get3A_47 = arith.constant 0 : index
      %get3A_48 = vector.load %arg7[%get3A_46, %get3A_47] : memref<515x512xf32, #tpu.memory_space<vmem>>, vector<515x512xf32>
      %max3A_49 = arith.maximumf %get3A_48, %max3A_39 : vector<515x512xf32>
      %swap3A = arith.constant 0 : index
      %swap3A_50 = arith.constant 0 : index
      %swap3A_51 = vector.load %arg7[%swap3A, %swap3A_50] : memref<515x512xf32, #tpu.memory_space<vmem>>, vector<515x512xf32>
      tpu.vector_store %arg7[%swap3A, %swap3A_50], %max3A_49 {strides = array<i32>} : memref<515x512xf32, #tpu.memory_space<vmem>>, vector<515x512xf32>,
    } else {
    }
    return
  }
  func.func @transform_0(%arg0: i32) -> (i32, i32) {
    %c0_i32 = arith.constant 0 : i32
    %c0_i32_0 = arith.constant 0 : i32
    return %arg0, %c0_i32 : i32, i32
  }
  func.func @transform_1(%arg0: i32) -> (i32, i32) {
    %c0_i32 = arith.constant 0 : i32
    %c0_i32_0 = arith.constant 0 : i32
    return %arg0, %c0_i32 : i32, i32
  }
  func.func @transform_2(%arg0: i32) -> (i32, i32) {
    %c0_i32 = arith.constant 0 : i32
    %c0_i32_0 = arith.constant 0 : i32
    %c0_i32_1 = arith.constant 0 : i32
    return %c0_i32, %c0_i32_0 : i32, i32
  }
  func.func @transform_3(%arg0: i32) -> (i32, i32) {
    %c0_i32 = arith.constant 0 : i32
    %c0_i32_0 = arith.constant 0 : i32
    %c0_i32_1 = arith.constant 0 : i32
    return %c0_i32, %c0_i32_0 : i32, i32
  }
  func.func @transform_4(%arg0: i32) -> (i32, i32) {
    %c0_i32 = arith.constant 0 : i32
    %c0_i32_0 = arith.constant 0 : i32
    %c0_i32_1 = arith.constant 0 : i32
    return %c0_i32, %c0_i32_0 : i32, i32
  }
  func.func @transform_5(%arg0: i32) -> (i32, i32) {
    %c0_i32 = arith.constant 0 : i32
    %c0_i32_0 = arith.constant 0 : i32
    %c0_i32_1 = arith.constant 0 : i32
    return %c0_i32, %c0_i32_0 : i32, i32
  }
  func.func @transform_6(%arg0: i32) -> (i32, i32) {
    %c0_i32 = arith.constant 0 : i32
    %c0_i32_0 = arith.constant 0 : i32
    %c0_i32_1 = arith.constant 0 : i32
    return %c0_i32, %c0_i32_0 : i32, i32
  }
}

module attributes {stable_mosaic.version = 14 : i64} {
  func.func @_attn_body(%arg0: memref<515x512xf32, #tpu.memory_space<vmem>>, %arg1: memref<515x512xf32, #tpu.memory_space<vmem>>, %arg2: memref<512x515xf32, #tpu.memory_space<vmem>>, %arg3: memref<512x515xf32, #tpu.memory_space<vmem>>, %arg4: memref<512x515xf32, #tpu.memory_space<vmem>>, %arg5: memref<515x512xf32, #tpu.memory_space<vmem>>, %arg6: memref<1x515xf32, #tpu.memory_space<vmem>>, %arg7: memref<512x515xf32, #tpu.memory_space<vmem>>) attributes {dimension_semantics = [], scalar_prefetch = 0 : i64, scratch_operands = 0 : i64, tpu.core_type = #tpu.core_type<tc>} {
    %get3A = arith.constant 0 : index
    %get3A_0 = arith.constant 0 : index
    %get3A_1 = vector.load %arg0[%get3A, %get3A_0] : memref<515x512xf32, #tpu.memory_space<vmem>>, vector<515x512xf32>
    %get3A_2 = arith.constant 0 : index
    %get3A_3 = arith.constant 0 : index
    %get3A_4 = vector.load %arg1[%get3A_2, %get3A_3] : memref<515x512xf32, #tpu.memory_space<vmem>>, vector<515x512xf32>
    %get3A_5 = arith.constant 0 : index
    %get3A_6 = arith.constant 0 : index
    %get3A_7 = vector.load %arg2[%get3A_5, %get3A_6] : memref<512x515xf32, #tpu.memory_space<vmem>>, vector<512x515xf32>
    %dot_general3A = arith.constant dense<0.000000e+00> : vector<512x512xf32>
    %dot_general3A_8 = tpu.matmul %get3A_7, %get3A_1, %dot_general3A {dimension_numbers = #tpu.dot_dimension_numbers<[1], [0], [0], [1], [0, 0, 1, 1], [], []>, transpose_lhs_hint = false} : vector<512x515xf32>, vector<515x512xf32>, vector<512x512xf32> -> vector<512x512xf32>
    %get3A_9 = arith.constant 0 : index
    %get3A_10 = arith.constant 0 : index
    %get3A_11 = vector.load %arg3[%get3A_9, %get3A_10] : memref<512x515xf32, #tpu.memory_space<vmem>>, vector<512x515xf32>
    %dot_general3A_12 = arith.constant dense<0.000000e+00> : vector<512x512xf32>
    %dot_general3A_13 = tpu.matmul %get3A_11, %get3A_4, %dot_general3A_12 {dimension_numbers = #tpu.dot_dimension_numbers<[1], [0], [0], [1], [0, 0, 1, 1], [], []>, transpose_lhs_hint = false} : vector<512x515xf32>, vector<515x512xf32>, vector<512x512xf32> -> vector<512x512xf32>
    %get3A_14 = arith.constant 0 : index
    %get3A_15 = arith.constant 0 : index
    %get3A_16 = vector.load %arg4[%get3A_14, %get3A_15] : memref<512x515xf32, #tpu.memory_space<vmem>>, vector<512x515xf32>
    %dot_general3A_17 = arith.constant dense<0.000000e+00> : vector<512x512xf32>
    %dot_general3A_18 = tpu.matmul %get3A_16, %get3A_4, %dot_general3A_17 {dimension_numbers = #tpu.dot_dimension_numbers<[1], [0], [0], [1], [0, 0, 1, 1], [], []>, transpose_lhs_hint = false} : vector<512x515xf32>, vector<515x512xf32>, vector<512x512xf32> -> vector<512x512xf32>
    %broadcast_in_dim3A = arith.constant 0.000000e+00 : f32
    %broadcast_in_dim3A_19 = vector.broadcast %broadcast_in_dim3A : f32 to vector<512x515xf32>
    %slice3A = vector.extract_strided_slice %dot_general3A_8 {offsets = [0, 0], sizes = [64, 512], strides = [1, 1]} : vector<512x512xf32> to vector<64x512xf32>
    %slice3A_20 = vector.extract_strided_slice %dot_general3A_13 {offsets = [0, 0], sizes = [64, 512], strides = [1, 1]} : vector<512x512xf32> to vector<64x512xf32>
    %slice3A_21 = vector.extract_strided_slice %dot_general3A_18 {offsets = [0, 0], sizes = [64, 512], strides = [1, 1]} : vector<512x512xf32> to vector<64x512xf32>
    %dot_general3A_22 = arith.constant dense<0.000000e+00> : vector<512x512xf32>
    %dot_general3A_23 = tpu.matmul %slice3A, %slice3A_20, %dot_general3A_22 {dimension_numbers = #tpu.dot_dimension_numbers<[0], [0], [1], [1], [0, 1, 1, 1], [], []>, transpose_lhs_hint = false} : vector<64x512xf32>, vector<64x512xf32>, vector<512x512xf32> -> vector<512x512xf32>
    %mul3A = arith.constant 0.0441941731 : f32
    %mul3A_24 = vector.broadcast %mul3A : f32 to vector<512x512xf32>
    %mul3A_25 = arith.mulf %dot_general3A_23, %mul3A_24 : vector<512x512xf32>
    %reduce_max3A = arith.constant dense<0xFF800000> : vector<512xf32>
    %reduce_max3A_26 = vector.multi_reduction <maximumf>, %mul3A_25, %reduce_max3A [1] : vector<512x512xf32> to vector<512xf32>
    %broadcast_in_dim3A_27 = vector.shape_cast %reduce_max3A_26 : vector<512xf32> to vector<512x1xf32>
    %sub3A = vector.broadcast %broadcast_in_dim3A_27 : vector<512x1xf32> to vector<512x512xf32>
    %sub3A_28 = arith.subf %mul3A_25, %sub3A : vector<512x512xf32>
    %exp3A = math.exp %sub3A_28 : vector<512x512xf32>
    %reduce_sum3A = arith.constant dense<0.000000e+00> : vector<512xf32>
    %reduce_sum3A_29 = vector.multi_reduction <add>, %exp3A, %reduce_sum3A [1] : vector<512x512xf32> to vector<512xf32>
    %broadcast_in_dim3A_30 = vector.shape_cast %reduce_sum3A_29 : vector<512xf32> to vector<512x1xf32>
    %div3A = vector.broadcast %broadcast_in_dim3A_30 : vector<512x1xf32> to vector<512x512xf32>
    %div3A_31 = arith.divf %exp3A, %div3A : vector<512x512xf32>
    %dot_general3A_32 = arith.constant dense<0.000000e+00> : vector<512x64xf32>
    %dot_general3A_33 = tpu.matmul %div3A_31, %slice3A_21, %dot_general3A_32 {dimension_numbers = #tpu.dot_dimension_numbers<[1], [1], [0], [0], [0, 0, 1, 0], [], []>, transpose_lhs_hint = false} : vector<512x512xf32>, vector<64x512xf32>, vector<512x64xf32> -> vector<512x64xf32>
    %get3A_34 = arith.constant 0 : index
    %get3A_35 = arith.constant 0 : index
    %get3A_36 = vector.load %arg5[%get3A_34, %get3A_35] : memref<515x512xf32, #tpu.memory_space<vmem>>, vector<515x64xf32>
    %dot_general3A_37 = arith.constant dense<0.000000e+00> : vector<512x515xf32>
    %dot_general3A_38 = tpu.matmul %dot_general3A_33, %get3A_36, %dot_general3A_37 {dimension_numbers = #tpu.dot_dimension_numbers<[1], [1], [0], [0], [0, 0, 1, 0], [], []>, transpose_lhs_hint = false} : vector<512x64xf32>, vector<515x64xf32>, vector<512x515xf32> -> vector<512x515xf32>
    %add3A = arith.addf %broadcast_in_dim3A_19, %dot_general3A_38 : vector<512x515xf32>
    %slice3A_39 = vector.extract_strided_slice %dot_general3A_8 {offsets = [64, 0], sizes = [64, 512], strides = [1, 1]} : vector<512x512xf32> to vector<64x512xf32>
    %slice3A_40 = vector.extract_strided_slice %dot_general3A_13 {offsets = [64, 0], sizes = [64, 512], strides = [1, 1]} : vector<512x512xf32> to vector<64x512xf32>
    %slice3A_41 = vector.extract_strided_slice %dot_general3A_18 {offsets = [64, 0], sizes = [64, 512], strides = [1, 1]} : vector<512x512xf32> to vector<64x512xf32>
    %dot_general3A_42 = arith.constant dense<0.000000e+00> : vector<512x512xf32>
    %dot_general3A_43 = tpu.matmul %slice3A_39, %slice3A_40, %dot_general3A_42 {dimension_numbers = #tpu.dot_dimension_numbers<[0], [0], [1], [1], [0, 1, 1, 1], [], []>, transpose_lhs_hint = false} : vector<64x512xf32>, vector<64x512xf32>, vector<512x512xf32> -> vector<512x512xf32>
    %mul3A_44 = arith.constant 0.0441941731 : f32
    %mul3A_45 = vector.broadcast %mul3A_44 : f32 to vector<512x512xf32>
    %mul3A_46 = arith.mulf %dot_general3A_43, %mul3A_45 : vector<512x512xf32>
    %reduce_max3A_47 = arith.constant dense<0xFF800000> : vector<512xf32>
    %reduce_max3A_48 = vector.multi_reduction <maximumf>, %mul3A_46, %reduce_max3A_47 [1] : vector<512x512xf32> to vector<512xf32>
    %broadcast_in_dim3A_49 = vector.shape_cast %reduce_max3A_48 : vector<512xf32> to vector<512x1xf32>
    %sub3A_50 = vector.broadcast %broadcast_in_dim3A_49 : vector<512x1xf32> to vector<512x512xf32>
    %sub3A_51 = arith.subf %mul3A_46, %sub3A_50 : vector<512x512xf32>
    %exp3A_52 = math.exp %sub3A_51 : vector<512x512xf32>
    %reduce_sum3A_53 = arith.constant dense<0.000000e+00> : vector<512xf32>
    %reduce_sum3A_54 = vector.multi_reduction <add>, %exp3A_52, %reduce_sum3A_53 [1] : vector<512x512xf32> to vector<512xf32>
    %broadcast_in_dim3A_55 = vector.shape_cast %reduce_sum3A_54 : vector<512xf32> to vector<512x1xf32>
    %div3A_56 = vector.broadcast %broadcast_in_dim3A_55 : vector<512x1xf32> to vector<512x512xf32>
    %div3A_57 = arith.divf %exp3A_52, %div3A_56 : vector<512x512xf32>
    %dot_general3A_58 = arith.constant dense<0.000000e+00> : vector<512x64xf32>
    %dot_general3A_59 = tpu.matmul %div3A_57, %slice3A_41, %dot_general3A_58 {dimension_numbers = #tpu.dot_dimension_numbers<[1], [1], [0], [0], [0, 0, 1, 0], [], []>, transpose_lhs_hint = false} : vector<512x512xf32>, vector<64x512xf32>, vector<512x64xf32> -> vector<512x64xf32>
    %get3A_60 = arith.constant 0 : index
    %get3A_61 = arith.constant 64 : index
    %get3A_62 = vector.load %arg5[%get3A_60, %get3A_61] : memref<515x512xf32, #tpu.memory_space<vmem>>, vector<515x64xf32>
    %dot_general3A_63 = arith.constant dense<0.000000e+00> : vector<512x515xf32>
    %dot_general3A_64 = tpu.matmul %dot_general3A_59, %get3A_62, %dot_general3A_63 {dimension_numbers = #tpu.dot_dimension_numbers<[1], [1], [0], [0], [0, 0, 1, 0], [], []>, transpose_lhs_hint = false} : vector<512x64xf32>, vector<515x64xf32>, vector<512x515xf32> -> vector<512x515xf32>
    %add3A_65 = arith.addf %add3A, %dot_general3A_64 : vector<512x515xf32>
    %slice3A_66 = vector.extract_strided_slice %dot_general3A_8 {offsets = [128, 0], sizes = [64, 512], strides = [1, 1]} : vector<512x512xf32> to vector<64x512xf32>
    %slice3A_67 = vector.extract_strided_slice %dot_general3A_13 {offsets = [128, 0], sizes = [64, 512], strides = [1, 1]} : vector<512x512xf32> to vector<64x512xf32>
    %slice3A_68 = vector.extract_strided_slice %dot_general3A_18 {offsets = [128, 0], sizes = [64, 512], strides = [1, 1]} : vector<512x512xf32> to vector<64x512xf32>
    %dot_general3A_69 = arith.constant dense<0.000000e+00> : vector<512x512xf32>
    %dot_general3A_70 = tpu.matmul %slice3A_66, %slice3A_67, %dot_general3A_69 {dimension_numbers = #tpu.dot_dimension_numbers<[0], [0], [1], [1], [0, 1, 1, 1], [], []>, transpose_lhs_hint = false} : vector<64x512xf32>, vector<64x512xf32>, vector<512x512xf32> -> vector<512x512xf32>
    %mul3A_71 = arith.constant 0.0441941731 : f32
    %mul3A_72 = vector.broadcast %mul3A_71 : f32 to vector<512x512xf32>
    %mul3A_73 = arith.mulf %dot_general3A_70, %mul3A_72 : vector<512x512xf32>
    %reduce_max3A_74 = arith.constant dense<0xFF800000> : vector<512xf32>
    %reduce_max3A_75 = vector.multi_reduction <maximumf>, %mul3A_73, %reduce_max3A_74 [1] : vector<512x512xf32> to vector<512xf32>
    %broadcast_in_dim3A_76 = vector.shape_cast %reduce_max3A_75 : vector<512xf32> to vector<512x1xf32>
    %sub3A_77 = vector.broadcast %broadcast_in_dim3A_76 : vector<512x1xf32> to vector<512x512xf32>
    %sub3A_78 = arith.subf %mul3A_73, %sub3A_77 : vector<512x512xf32>
    %exp3A_79 = math.exp %sub3A_78 : vector<512x512xf32>
    %reduce_sum3A_80 = arith.constant dense<0.000000e+00> : vector<512xf32>
    %reduce_sum3A_81 = vector.multi_reduction <add>, %exp3A_79, %reduce_sum3A_80 [1] : vector<512x512xf32> to vector<512xf32>
    %broadcast_in_dim3A_82 = vector.shape_cast %reduce_sum3A_81 : vector<512xf32> to vector<512x1xf32>
    %div3A_83 = vector.broadcast %broadcast_in_dim3A_82 : vector<512x1xf32> to vector<512x512xf32>
    %div3A_84 = arith.divf %exp3A_79, %div3A_83 : vector<512x512xf32>
    %dot_general3A_85 = arith.constant dense<0.000000e+00> : vector<512x64xf32>
    %dot_general3A_86 = tpu.matmul %div3A_84, %slice3A_68, %dot_general3A_85 {dimension_numbers = #tpu.dot_dimension_numbers<[1], [1], [0], [0], [0, 0, 1, 0], [], []>, transpose_lhs_hint = false} : vector<512x512xf32>, vector<64x512xf32>, vector<512x64xf32> -> vector<512x64xf32>
    %get3A_87 = arith.constant 0 : index
    %get3A_88 = arith.constant 128 : index
    %get3A_89 = vector.load %arg5[%get3A_87, %get3A_88] : memref<515x512xf32, #tpu.memory_space<vmem>>, vector<515x64xf32>
    %dot_general3A_90 = arith.constant dense<0.000000e+00> : vector<512x515xf32>
    %dot_general3A_91 = tpu.matmul %dot_general3A_86, %get3A_89, %dot_general3A_90 {dimension_numbers = #tpu.dot_dimension_numbers<[1], [1], [0], [0], [0, 0, 1, 0], [], []>, transpose_lhs_hint = false} : vector<512x64xf32>, vector<515x64xf32>, vector<512x515xf32> -> vector<512x515xf32>
    %add3A_92 = arith.addf %add3A_65, %dot_general3A_91 : vector<512x515xf32>
    %slice3A_93 = vector.extract_strided_slice %dot_general3A_8 {offsets = [192, 0], sizes = [64, 512], strides = [1, 1]} : vector<512x512xf32> to vector<64x512xf32>
    %slice3A_94 = vector.extract_strided_slice %dot_general3A_13 {offsets = [192, 0], sizes = [64, 512], strides = [1, 1]} : vector<512x512xf32> to vector<64x512xf32>
    %slice3A_95 = vector.extract_strided_slice %dot_general3A_18 {offsets = [192, 0], sizes = [64, 512], strides = [1, 1]} : vector<512x512xf32> to vector<64x512xf32>
    %dot_general3A_96 = arith.constant dense<0.000000e+00> : vector<512x512xf32>
    %dot_general3A_97 = tpu.matmul %slice3A_93, %slice3A_94, %dot_general3A_96 {dimension_numbers = #tpu.dot_dimension_numbers<[0], [0], [1], [1], [0, 1, 1, 1], [], []>, transpose_lhs_hint = false} : vector<64x512xf32>, vector<64x512xf32>, vector<512x512xf32> -> vector<512x512xf32>
    %mul3A_98 = arith.constant 0.0441941731 : f32
    %mul3A_99 = vector.broadcast %mul3A_98 : f32 to vector<512x512xf32>
    %mul3A_100 = arith.mulf %dot_general3A_97, %mul3A_99 : vector<512x512xf32>
    %reduce_max3A_101 = arith.constant dense<0xFF800000> : vector<512xf32>
    %reduce_max3A_102 = vector.multi_reduction <maximumf>, %mul3A_100, %reduce_max3A_101 [1] : vector<512x512xf32> to vector<512xf32>
    %broadcast_in_dim3A_103 = vector.shape_cast %reduce_max3A_102 : vector<512xf32> to vector<512x1xf32>
    %sub3A_104 = vector.broadcast %broadcast_in_dim3A_103 : vector<512x1xf32> to vector<512x512xf32>
    %sub3A_105 = arith.subf %mul3A_100, %sub3A_104 : vector<512x512xf32>
    %exp3A_106 = math.exp %sub3A_105 : vector<512x512xf32>
    %reduce_sum3A_107 = arith.constant dense<0.000000e+00> : vector<512xf32>
    %reduce_sum3A_108 = vector.multi_reduction <add>, %exp3A_106, %reduce_sum3A_107 [1] : vector<512x512xf32> to vector<512xf32>
    %broadcast_in_dim3A_109 = vector.shape_cast %reduce_sum3A_108 : vector<512xf32> to vector<512x1xf32>
    %div3A_110 = vector.broadcast %broadcast_in_dim3A_109 : vector<512x1xf32> to vector<512x512xf32>
    %div3A_111 = arith.divf %exp3A_106, %div3A_110 : vector<512x512xf32>
    %dot_general3A_112 = arith.constant dense<0.000000e+00> : vector<512x64xf32>
    %dot_general3A_113 = tpu.matmul %div3A_111, %slice3A_95, %dot_general3A_112 {dimension_numbers = #tpu.dot_dimension_numbers<[1], [1], [0], [0], [0, 0, 1, 0], [], []>, transpose_lhs_hint = false} : vector<512x512xf32>, vector<64x512xf32>, vector<512x64xf32> -> vector<512x64xf32>
    %get3A_114 = arith.constant 0 : index
    %get3A_115 = arith.constant 192 : index
    %get3A_116 = vector.load %arg5[%get3A_114, %get3A_115] : memref<515x512xf32, #tpu.memory_space<vmem>>, vector<515x64xf32>
    %dot_general3A_117 = arith.constant dense<0.000000e+00> : vector<512x515xf32>
    %dot_general3A_118 = tpu.matmul %dot_general3A_113, %get3A_116, %dot_general3A_117 {dimension_numbers = #tpu.dot_dimension_numbers<[1], [1], [0], [0], [0, 0, 1, 0], [], []>, transpose_lhs_hint = false} : vector<512x64xf32>, vector<515x64xf32>, vector<512x515xf32> -> vector<512x515xf32>
    %add3A_119 = arith.addf %add3A_92, %dot_general3A_118 : vector<512x515xf32>
    %slice3A_120 = vector.extract_strided_slice %dot_general3A_8 {offsets = [256, 0], sizes = [64, 512], strides = [1, 1]} : vector<512x512xf32> to vector<64x512xf32>
    %slice3A_121 = vector.extract_strided_slice %dot_general3A_13 {offsets = [256, 0], sizes = [64, 512], strides = [1, 1]} : vector<512x512xf32> to vector<64x512xf32>
    %slice3A_122 = vector.extract_strided_slice %dot_general3A_18 {offsets = [256, 0], sizes = [64, 512], strides = [1, 1]} : vector<512x512xf32> to vector<64x512xf32>
    %dot_general3A_123 = arith.constant dense<0.000000e+00> : vector<512x512xf32>
    %dot_general3A_124 = tpu.matmul %slice3A_120, %slice3A_121, %dot_general3A_123 {dimension_numbers = #tpu.dot_dimension_numbers<[0], [0], [1], [1], [0, 1, 1, 1], [], []>, transpose_lhs_hint = false} : vector<64x512xf32>, vector<64x512xf32>, vector<512x512xf32> -> vector<512x512xf32>
    %mul3A_125 = arith.constant 0.0441941731 : f32
    %mul3A_126 = vector.broadcast %mul3A_125 : f32 to vector<512x512xf32>
    %mul3A_127 = arith.mulf %dot_general3A_124, %mul3A_126 : vector<512x512xf32>
    %reduce_max3A_128 = arith.constant dense<0xFF800000> : vector<512xf32>
    %reduce_max3A_129 = vector.multi_reduction <maximumf>, %mul3A_127, %reduce_max3A_128 [1] : vector<512x512xf32> to vector<512xf32>
    %broadcast_in_dim3A_130 = vector.shape_cast %reduce_max3A_129 : vector<512xf32> to vector<512x1xf32>
    %sub3A_131 = vector.broadcast %broadcast_in_dim3A_130 : vector<512x1xf32> to vector<512x512xf32>
    %sub3A_132 = arith.subf %mul3A_127, %sub3A_131 : vector<512x512xf32>
    %exp3A_133 = math.exp %sub3A_132 : vector<512x512xf32>
    %reduce_sum3A_134 = arith.constant dense<0.000000e+00> : vector<512xf32>
    %reduce_sum3A_135 = vector.multi_reduction <add>, %exp3A_133, %reduce_sum3A_134 [1] : vector<512x512xf32> to vector<512xf32>
    %broadcast_in_dim3A_136 = vector.shape_cast %reduce_sum3A_135 : vector<512xf32> to vector<512x1xf32>
    %div3A_137 = vector.broadcast %broadcast_in_dim3A_136 : vector<512x1xf32> to vector<512x512xf32>
    %div3A_138 = arith.divf %exp3A_133, %div3A_137 : vector<512x512xf32>
    %dot_general3A_139 = arith.constant dense<0.000000e+00> : vector<512x64xf32>
    %dot_general3A_140 = tpu.matmul %div3A_138, %slice3A_122, %dot_general3A_139 {dimension_numbers = #tpu.dot_dimension_numbers<[1], [1], [0], [0], [0, 0, 1, 0], [], []>, transpose_lhs_hint = false} : vector<512x512xf32>, vector<64x512xf32>, vector<512x64xf32> -> vector<512x64xf32>
    %get3A_141 = arith.constant 0 : index
    %get3A_142 = arith.constant 256 : index
    %get3A_143 = vector.load %arg5[%get3A_141, %get3A_142] : memref<515x512xf32, #tpu.memory_space<vmem>>, vector<515x64xf32>
    %dot_general3A_144 = arith.constant dense<0.000000e+00> : vector<512x515xf32>
    %dot_general3A_145 = tpu.matmul %dot_general3A_140, %get3A_143, %dot_general3A_144 {dimension_numbers = #tpu.dot_dimension_numbers<[1], [1], [0], [0], [0, 0, 1, 0], [], []>, transpose_lhs_hint = false} : vector<512x64xf32>, vector<515x64xf32>, vector<512x515xf32> -> vector<512x515xf32>
    %add3A_146 = arith.addf %add3A_119, %dot_general3A_145 : vector<512x515xf32>
    %slice3A_147 = vector.extract_strided_slice %dot_general3A_8 {offsets = [320, 0], sizes = [64, 512], strides = [1, 1]} : vector<512x512xf32> to vector<64x512xf32>
    %slice3A_148 = vector.extract_strided_slice %dot_general3A_13 {offsets = [320, 0], sizes = [64, 512], strides = [1, 1]} : vector<512x512xf32> to vector<64x512xf32>
    %slice3A_149 = vector.extract_strided_slice %dot_general3A_18 {offsets = [320, 0], sizes = [64, 512], strides = [1, 1]} : vector<512x512xf32> to vector<64x512xf32>
    %dot_general3A_150 = arith.constant dense<0.000000e+00> : vector<512x512xf32>
    %dot_general3A_151 = tpu.matmul %slice3A_147, %slice3A_148, %dot_general3A_150 {dimension_numbers = #tpu.dot_dimension_numbers<[0], [0], [1], [1], [0, 1, 1, 1], [], []>, transpose_lhs_hint = false} : vector<64x512xf32>, vector<64x512xf32>, vector<512x512xf32> -> vector<512x512xf32>
    %mul3A_152 = arith.constant 0.0441941731 : f32
    %mul3A_153 = vector.broadcast %mul3A_152 : f32 to vector<512x512xf32>
    %mul3A_154 = arith.mulf %dot_general3A_151, %mul3A_153 : vector<512x512xf32>
    %reduce_max3A_155 = arith.constant dense<0xFF800000> : vector<512xf32>
    %reduce_max3A_156 = vector.multi_reduction <maximumf>, %mul3A_154, %reduce_max3A_155 [1] : vector<512x512xf32> to vector<512xf32>
    %broadcast_in_dim3A_157 = vector.shape_cast %reduce_max3A_156 : vector<512xf32> to vector<512x1xf32>
    %sub3A_158 = vector.broadcast %broadcast_in_dim3A_157 : vector<512x1xf32> to vector<512x512xf32>
    %sub3A_159 = arith.subf %mul3A_154, %sub3A_158 : vector<512x512xf32>
    %exp3A_160 = math.exp %sub3A_159 : vector<512x512xf32>
    %reduce_sum3A_161 = arith.constant dense<0.000000e+00> : vector<512xf32>
    %reduce_sum3A_162 = vector.multi_reduction <add>, %exp3A_160, %reduce_sum3A_161 [1] : vector<512x512xf32> to vector<512xf32>
    %broadcast_in_dim3A_163 = vector.shape_cast %reduce_sum3A_162 : vector<512xf32> to vector<512x1xf32>
    %div3A_164 = vector.broadcast %broadcast_in_dim3A_163 : vector<512x1xf32> to vector<512x512xf32>
    %div3A_165 = arith.divf %exp3A_160, %div3A_164 : vector<512x512xf32>
    %dot_general3A_166 = arith.constant dense<0.000000e+00> : vector<512x64xf32>
    %dot_general3A_167 = tpu.matmul %div3A_165, %slice3A_149, %dot_general3A_166 {dimension_numbers = #tpu.dot_dimension_numbers<[1], [1], [0], [0], [0, 0, 1, 0], [], []>, transpose_lhs_hint = false} : vector<512x512xf32>, vector<64x512xf32>, vector<512x64xf32> -> vector<512x64xf32>
    %get3A_168 = arith.constant 0 : index
    %get3A_169 = arith.constant 320 : index
    %get3A_170 = vector.load %arg5[%get3A_168, %get3A_169] : memref<515x512xf32, #tpu.memory_space<vmem>>, vector<515x64xf32>
    %dot_general3A_171 = arith.constant dense<0.000000e+00> : vector<512x515xf32>
    %dot_general3A_172 = tpu.matmul %dot_general3A_167, %get3A_170, %dot_general3A_171 {dimension_numbers = #tpu.dot_dimension_numbers<[1], [1], [0], [0], [0, 0, 1, 0], [], []>, transpose_lhs_hint = false} : vector<512x64xf32>, vector<515x64xf32>, vector<512x515xf32> -> vector<512x515xf32>
    %add3A_173 = arith.addf %add3A_146, %dot_general3A_172 : vector<512x515xf32>
    %slice3A_174 = vector.extract_strided_slice %dot_general3A_8 {offsets = [384, 0], sizes = [64, 512], strides = [1, 1]} : vector<512x512xf32> to vector<64x512xf32>
    %slice3A_175 = vector.extract_strided_slice %dot_general3A_13 {offsets = [384, 0], sizes = [64, 512], strides = [1, 1]} : vector<512x512xf32> to vector<64x512xf32>
    %slice3A_176 = vector.extract_strided_slice %dot_general3A_18 {offsets = [384, 0], sizes = [64, 512], strides = [1, 1]} : vector<512x512xf32> to vector<64x512xf32>
    %dot_general3A_177 = arith.constant dense<0.000000e+00> : vector<512x512xf32>
    %dot_general3A_178 = tpu.matmul %slice3A_174, %slice3A_175, %dot_general3A_177 {dimension_numbers = #tpu.dot_dimension_numbers<[0], [0], [1], [1], [0, 1, 1, 1], [], []>, transpose_lhs_hint = false} : vector<64x512xf32>, vector<64x512xf32>, vector<512x512xf32> -> vector<512x512xf32>
    %mul3A_179 = arith.constant 0.0441941731 : f32
    %mul3A_180 = vector.broadcast %mul3A_179 : f32 to vector<512x512xf32>
    %mul3A_181 = arith.mulf %dot_general3A_178, %mul3A_180 : vector<512x512xf32>
    %reduce_max3A_182 = arith.constant dense<0xFF800000> : vector<512xf32>
    %reduce_max3A_183 = vector.multi_reduction <maximumf>, %mul3A_181, %reduce_max3A_182 [1] : vector<512x512xf32> to vector<512xf32>
    %broadcast_in_dim3A_184 = vector.shape_cast %reduce_max3A_183 : vector<512xf32> to vector<512x1xf32>
    %sub3A_185 = vector.broadcast %broadcast_in_dim3A_184 : vector<512x1xf32> to vector<512x512xf32>
    %sub3A_186 = arith.subf %mul3A_181, %sub3A_185 : vector<512x512xf32>
    %exp3A_187 = math.exp %sub3A_186 : vector<512x512xf32>
    %reduce_sum3A_188 = arith.constant dense<0.000000e+00> : vector<512xf32>
    %reduce_sum3A_189 = vector.multi_reduction <add>, %exp3A_187, %reduce_sum3A_188 [1] : vector<512x512xf32> to vector<512xf32>
    %broadcast_in_dim3A_190 = vector.shape_cast %reduce_sum3A_189 : vector<512xf32> to vector<512x1xf32>
    %div3A_191 = vector.broadcast %broadcast_in_dim3A_190 : vector<512x1xf32> to vector<512x512xf32>
    %div3A_192 = arith.divf %exp3A_187, %div3A_191 : vector<512x512xf32>
    %dot_general3A_193 = arith.constant dense<0.000000e+00> : vector<512x64xf32>
    %dot_general3A_194 = tpu.matmul %div3A_192, %slice3A_176, %dot_general3A_193 {dimension_numbers = #tpu.dot_dimension_numbers<[1], [1], [0], [0], [0, 0, 1, 0], [], []>, transpose_lhs_hint = false} : vector<512x512xf32>, vector<64x512xf32>, vector<512x64xf32> -> vector<512x64xf32>
    %get3A_195 = arith.constant 0 : index
    %get3A_196 = arith.constant 384 : index
    %get3A_197 = vector.load %arg5[%get3A_195, %get3A_196] : memref<515x512xf32, #tpu.memory_space<vmem>>, vector<515x64xf32>
    %dot_general3A_198 = arith.constant dense<0.000000e+00> : vector<512x515xf32>
    %dot_general3A_199 = tpu.matmul %dot_general3A_194, %get3A_197, %dot_general3A_198 {dimension_numbers = #tpu.dot_dimension_numbers<[1], [1], [0], [0], [0, 0, 1, 0], [], []>, transpose_lhs_hint = false} : vector<512x64xf32>, vector<515x64xf32>, vector<512x515xf32> -> vector<512x515xf32>
    %add3A_200 = arith.addf %add3A_173, %dot_general3A_199 : vector<512x515xf32>
    %slice3A_201 = vector.extract_strided_slice %dot_general3A_8 {offsets = [448, 0], sizes = [64, 512], strides = [1, 1]} : vector<512x512xf32> to vector<64x512xf32>
    %slice3A_202 = vector.extract_strided_slice %dot_general3A_13 {offsets = [448, 0], sizes = [64, 512], strides = [1, 1]} : vector<512x512xf32> to vector<64x512xf32>
    %slice3A_203 = vector.extract_strided_slice %dot_general3A_18 {offsets = [448, 0], sizes = [64, 512], strides = [1, 1]} : vector<512x512xf32> to vector<64x512xf32>
    %dot_general3A_204 = arith.constant dense<0.000000e+00> : vector<512x512xf32>
    %dot_general3A_205 = tpu.matmul %slice3A_201, %slice3A_202, %dot_general3A_204 {dimension_numbers = #tpu.dot_dimension_numbers<[0], [0], [1], [1], [0, 1, 1, 1], [], []>, transpose_lhs_hint = false} : vector<64x512xf32>, vector<64x512xf32>, vector<512x512xf32> -> vector<512x512xf32>
    %mul3A_206 = arith.constant 0.0441941731 : f32
    %mul3A_207 = vector.broadcast %mul3A_206 : f32 to vector<512x512xf32>
    %mul3A_208 = arith.mulf %dot_general3A_205, %mul3A_207 : vector<512x512xf32>
    %reduce_max3A_209 = arith.constant dense<0xFF800000> : vector<512xf32>
    %reduce_max3A_210 = vector.multi_reduction <maximumf>, %mul3A_208, %reduce_max3A_209 [1] : vector<512x512xf32> to vector<512xf32>
    %broadcast_in_dim3A_211 = vector.shape_cast %reduce_max3A_210 : vector<512xf32> to vector<512x1xf32>
    %sub3A_212 = vector.broadcast %broadcast_in_dim3A_211 : vector<512x1xf32> to vector<512x512xf32>
    %sub3A_213 = arith.subf %mul3A_208, %sub3A_212 : vector<512x512xf32>
    %exp3A_214 = math.exp %sub3A_213 : vector<512x512xf32>
    %reduce_sum3A_215 = arith.constant dense<0.000000e+00> : vector<512xf32>
    %reduce_sum3A_216 = vector.multi_reduction <add>, %exp3A_214, %reduce_sum3A_215 [1] : vector<512x512xf32> to vector<512xf32>
    %broadcast_in_dim3A_217 = vector.shape_cast %reduce_sum3A_216 : vector<512xf32> to vector<512x1xf32>
    %div3A_218 = vector.broadcast %broadcast_in_dim3A_217 : vector<512x1xf32> to vector<512x512xf32>
    %div3A_219 = arith.divf %exp3A_214, %div3A_218 : vector<512x512xf32>
    %dot_general3A_220 = arith.constant dense<0.000000e+00> : vector<512x64xf32>
    %dot_general3A_221 = tpu.matmul %div3A_219, %slice3A_203, %dot_general3A_220 {dimension_numbers = #tpu.dot_dimension_numbers<[1], [1], [0], [0], [0, 0, 1, 0], [], []>, transpose_lhs_hint = false} : vector<512x512xf32>, vector<64x512xf32>, vector<512x64xf32> -> vector<512x64xf32>
    %get3A_222 = arith.constant 0 : index
    %get3A_223 = arith.constant 448 : index
    %get3A_224 = vector.load %arg5[%get3A_222, %get3A_223] : memref<515x512xf32, #tpu.memory_space<vmem>>, vector<515x64xf32>
    %dot_general3A_225 = arith.constant dense<0.000000e+00> : vector<512x515xf32>
    %dot_general3A_226 = tpu.matmul %dot_general3A_221, %get3A_224, %dot_general3A_225 {dimension_numbers = #tpu.dot_dimension_numbers<[1], [1], [0], [0], [0, 0, 1, 0], [], []>, transpose_lhs_hint = false} : vector<512x64xf32>, vector<515x64xf32>, vector<512x515xf32> -> vector<512x515xf32>
    %add3A_227 = arith.addf %add3A_200, %dot_general3A_226 : vector<512x515xf32>
    %get3A_228 = arith.constant 0 : index
    %get3A_229 = arith.constant 0 : index
    %get3A_230 = vector.load %arg6[%get3A_228, %get3A_229] : memref<1x515xf32, #tpu.memory_space<vmem>>, vector<1x515xf32>
    %get3A_231 = vector.shape_cast %get3A_230 : vector<1x515xf32> to vector<515xf32>
    %broadcast_in_dim3A_232 = vector.shape_cast %get3A_231 : vector<515xf32> to vector<1x515xf32>
    %add3A_233 = vector.broadcast %broadcast_in_dim3A_232 : vector<1x515xf32> to vector<512x515xf32>
    %add3A_234 = arith.addf %add3A_227, %add3A_233 : vector<512x515xf32>
    %swap3A = arith.constant 0 : index
    %swap3A_235 = arith.constant 0 : index
    %swap3A_236 = vector.load %arg7[%swap3A, %swap3A_235] : memref<512x515xf32, #tpu.memory_space<vmem>>, vector<512x515xf32>
    tpu.vector_store %arg7[%swap3A, %swap3A_235], %add3A_234 {strides = array<i32>} : memref<512x515xf32, #tpu.memory_space<vmem>>, vector<512x515xf32>,
    return
  }
}

</mosaic_0001>

<sc_bundles>
// kernel: kernel.15.cloned.1.call-start
scs
__scs_entry_jumppad:
0x0: {  	(pc) =	sbr.rel $0x88, $3  }
0x1: {  	(tag) =	ssettag $0x0;
	lr =	simm.s32 $0x1  }
0x2: {  	[smem:$0x3F94] =	sst lr;
	_ =	strace $0xD0000000  }
0x3: {  	_ = 	snop  }
0x4: {  	_ = 	snop  }
0x5: {  	_ = 	snop  }
0x6: {  	_ = 	snop  }
0x7: {  	_ = 	snop  }
__scs_overlays_trampoline_lowered:
0x8: {  	[smem:$0x3FA3] =	sst s0  }
0x9: {  	[smem:$0x3FA4] =	sst s1  }
0xa: {  	[smem:$0x3FA5] =	sst s2  }
0xb: {  	[smem:$0x3FA6] =	sst s3  }
0xc: {  	[smem:$0x3FA7] =	sst s4  }
0xd: {  	[smem:$0x3FA8] =	sst s5  }
0xe: {  	[smem:$0x3FA9] =	sst s6  }
0xf: {  	[smem:$0x3FAA] =	sst s7  }
0x10: {  	[smem:$0x3FAB] =	sst s8  }
0x11: {  	[smem:$0x3FAC] =	sst s9;
	s0 =	simm.s32 @!p0 $0x0  }
0x12: {  	s1 =	sld [smem:$0x3F92];
	s0 =	simm.s32 @p0 $0x1  }
0x13: {  	[smem:$0x3FAD] =	sst s0;
	s0 =	simm.s32 @!p1 $0x0  }
0x14: {  	s2 =	sld [smem:$0x3F91];
	s0 =	simm.s32 @p1 $0x1  }
0x15: {  	[smem:$0x3FAE] =	sst s0;
	s0 =	simm.s32 @!p2 $0x0  }
0x16: {  	s3 =	sld [smem:$0x3FDB];
	s0 =	simm.s32 @p2 $0x1  }
0x17: {  	s4 =	simm.s32 $0x1BF5;
	[smem:$0x3FB0] =	sst s0  }
0x18: {  	s0 =	sld [smem:$0x3F93];
	_ =	swait.ge [sflag:s4], $0x0  }
0x19: {  	s7 =	sld [smem:$0x3F94]  }
0x1a: {  	s8 =	sadd.s32 $0xFFFFE003, lr  }
0x1b: {  	s9 =	sadd.s32 $0xFFFFFEF7, lr;
	s5 =	simm.s32 $0xFFFFFFFF;
	p2 =	slt.u32 s8, $0xFFFFF086  }
0x1c: {  	p1 =	slt.u32 s9, $0xF7A;
	s5 =	simm.s32 @!p2 $0x0  }
0x1d: {  	s5 =	simm.s32 @p1 $0x1;
	p0 =	seq.s32 s7, s2  }
0x1e: {  	s7 =	smul.u32 @!p0 $0xF7A, s2;
	p2 =	seq.s32 @!p0 s5, $0x0  }
0x1f: {  	s9 =	smul.u32 $0xF7A, s1;
	s8 =	simm.s32 @!p0 $0x1BF5;
	p2 =	por !p2, p0  }
0x20: {  	[sflag:s8] =	ssyncset.s32 @!p0 $0xFFFFF086;
	s6 =	sadd.s32 @!p0 s3, s7;
	s7 =	simm.s32 @!p0 $0x108  }
0x21: {  	s3 =	sadd.s32 s3, s9;
	s6 =	sadd.s32 @!p0 $0x88, s6;
	s7 =	simm.s32 @p2 $0x1082  }
0x22: {  	[simem:s7], [sflag:s8] =	dma.local @!p0 [hbm:s6], $0xF7A  }
0x23: {  	s9 =	sor.u32 $0xD0000000, s2;
	s6 =	simm.s32 $0x108;
	_ =	swait.ge @!p0 [sflag:s8], $0x0  }
0x24: {  	s3 =	sadd.s32 $0x88, s3;
	s6 =	simm.s32 @!p1 $0x1082;
	[sflag:s4] =	ssyncset.s32 $0xFFFFF086  }
0x25: {  	[simem:s6], [sflag:s4] =	dma.local [hbm:s3], $0xF7A  }
0x26: {  	[smem:$0x3F94] =	sst s1;
	(tag) =	ssettag s2;
	_ =	strace s9  }
0x27: {  	s1 =	sld [smem:$0x3FA4]  }
0x28: {  	s2 =	sld [smem:$0x3FA5]  }
0x29: {  	s4 =	sld [smem:$0x3FA7]  }
0x2a: {  	p0 =	seq.s32 s5, $0x0;
	s5 =	sld [smem:$0x3FA8]  }
0x2b: {  	s6 =	sld [smem:$0x3FA9]  }
0x2c: {  	s7 =	sld [smem:$0x3FAA]  }
0x2d: {  	s3 =	simm.s32 $0x108;
	s8 =	sld [smem:$0x3FAB]  }
0x2e: {  	s3 =	simm.s32 @!p0 $0x1082;
	s9 =	sld [smem:$0x3FAC]  }
0x2f: {  	lr =	sadd.s32 s0, s3;
	s0 =	sld [smem:$0x3FA3]  }
0x30: {  	s3 =	sld [smem:$0x3FA6]  }
0x31: {  	[smem:$0x3FAF] =	sst s10  }
0x32: {  	s10 =	sld [smem:$0x3FAD];
	_ =	sdelay $0x3  }
0x33: {  	p0 =	seq.s32 s10, $0x1;
	s10 =	sld [smem:$0x3FAF];
	_ =	sdelay $0x3  }
0x34: {  	[smem:$0x3FAF] =	sst s10  }
0x35: {  	s10 =	sld [smem:$0x3FAE];
	_ =	sdelay $0x3  }
0x36: {  	p1 =	seq.s32 s10, $0x1;
	s10 =	sld [smem:$0x3FAF];
	_ =	sdelay $0x3  }
0x37: {  	[smem:$0x3FAF] =	sst s10  }
0x38: {  	s10 =	sld [smem:$0x3FB0]  }
0x39: {  	_ = 	snop;
	(pc) =	sbr.ind lr, $3  }
0x3a: {  	_ = 	snop  }
0x3b: {  	_ = 	snop  }
0x3c: {  	p2 =	seq.s32 s10, $0x1;
	s10 =	sld [smem:$0x3FAF]  }
0x3d: {  	_ =	shalt  }
0x3e: {  	_ =	shalt  }
0x3f: {  	_ =	shalt  }
0x40: {  	_ =	shalt  }
0x41: {  	_ =	shalt  }
0x42: {  	_ =	shalt  }
0x43: {  	_ =	shalt  }
0x44: {  	_ =	shalt  }
0x45: {  	_ =	shalt  }
0x46: {  	_ =	shalt  }
0x47: {  	_ =	shalt  }
0x48: {  	_ =	shalt  }
0x49: {  	_ =	shalt  }
0x4a: {  	_ =	shalt  }
0x4b: {  	_ =	shalt  }
0x4c: {  	_ =	shalt  }
0x4d: {  	_ =	shalt  }
0x4e: {  	_ =	shalt  }
0x4f: {  	_ =	shalt  }
0x50: {  	_ =	shalt  }
0x51: {  	_ =	shalt  }
0x52: {  	_ =	shalt  }
0x53: {  	_ =	shalt  }
0x54: {  	_ =	shalt  }
0x55: {  	_ =	shalt  }
0x56: {  	_ =	shalt  }
0x57: {  	_ =	shalt  }
0x58: {  	_ =	shalt  }
0x59: {  	_ =	shalt  }
0x5a: {  	_ =	shalt  }
0x5b: {  	_ =	shalt  }
0x5c: {  	_ =	shalt  }
0x5d: {  	_ =	shalt  }
0x5e: {  	_ =	shalt  }
0x5f: {  	_ =	shalt  }
0x60: {  	_ =	shalt  }
0x61: {  	_ =	shalt  }
0x62: {  	_ =	shalt  }
0x63: {  	_ =	shalt  }
0x64: {  	_ =	shalt  }
0x65: {  	_ =	shalt  }
0x66: {  	_ =	shalt  }
0x67: {  	_ =	shalt  }
0x68: {  	_ =	shalt  }
0x69: {  	_ =	shalt  }
0x6a: {  	_ =	shalt  }
0x6b: {  	_ =	shalt  }
0x6c: {  	_ =	shalt  }
0x6d: {  	_ =	shalt  }
0x6e: {  	_ =	shalt  }
0x6f: {  	_ =	shalt  }
0x70: {  	_ =	shalt  }
0x71: {  	_ =	shalt  }
0x72: {  	_ =	shalt  }
0x73: {  	_ =	shalt  }
0x74: {  	_ =	shalt  }
0x75: {  	_ =	shalt  }
0x76: {  	_ =	shalt  }
0x77: {  	_ =	shalt  }
0x78: {  	_ =	shalt  }
0x79: {  	_ =	shalt  }
0x7a: {  	_ =	shalt  }
0x7b: {  	_ =	shalt  }
0x7c: {  	_ =	shalt  }
0x7d: {  	_ =	shalt  }
0x7e: {  	_ =	shalt  }
0x7f: {  	_ =	shalt  }
0x80: {  	_ =	shalt  }
0x81: {  	_ =	shalt  }
0x82: {  	_ =	shalt  }
0x83: {  	_ =	shalt  }
0x84: {  	_ =	shalt  }
0x85: {  	_ =	shalt  }
0x86: {  	_ =	shalt  }
0x87: {  	_ =	shalt  }
.Lfunc_end0:
.L_simem_size_0:
called_computation_lowered:
.L_overlay_start_0:
0x88: {  	s2 =	sld [smem:$0x3FD9]  }
0x89: {  	s3 =	sld [smem:$0x3FFE];
	_ =	sdelay $0x1  }
0x8a: {  	s1 =	srdreg.scid  }
0x8b: {  	s0 =	sand.u32 $0x1, s1  }
0x8c: {  	s17 =	sshll.u32 s0, $0xA;
	s2 =	sadd.s32 s3, s2  }
0x8d: {  	s2 =	sadd.s32 s2, s17  }
0x8e: {  	[smem:$0x3FBB] =	sst s2  }
0x8f: {  	_ = 	snop  }
0x90: {  	s18 =	sld [smem:$0x3FD0];
	(tm) =	ssettm $0x1  }
0x91: {  	s19 =	sld [smem:$0x3FFB];
	_ =	sdelay $0x3  }
0x92: {  	_ =	strace s19  }
0x93: {  	s2 =	sld [smem:$0x3FFC];
	_ =	sdelay $0x3  }
0x94: {  	_ =	strace s2  }
0x95: {  	s2 =	sld [smem:$0x3FFD];
	_ =	sdelay $0x3  }
0x96: {  	_ =	strace s2  }
0x97: {  	_ =	strace $0x8FFFFFFF  }
0x98: {  	s20 =	sld [smem:$0x3FDB];
	_ =	sdelay $0x1  }
0x99: {  	s4 =	simm.s32 $_scs_section_size  }
0x9a: {  	s5 =	simm.s32 $_size__tile_overlayer_lowered;
	s6 =	simm.s32 $_tile_overlayer_lowered  }
0x9b: {  	s7 =	simm.s32 $0x1BFF;
	s21 =	sshll.u32 s6, $0x1;
	s4 =	sadd.s32 s4, s20  }
0x9c: {  	s22 =	simm.s32 $0x0;
	s5 =	sshll.u32 s5, $0x1;
	s6 =	sadd.s32 s21, s4  }
0x9d: {  	[timem:s22], [sflag:s7] =	dma.local [hbm:s6], s5  }
0x9e: {  	_ =	swait.ge [sflag:s7], s5  }
0x9f: {  	s5 =	ssub.s32 $0x0, s5;
	[sflag:s7] =	ssyncset.done $0x0  }
0xa0: {  	[sflag:s7] =	ssyncadd.s32 s5;
	_ =	sdelay $0x1  }
0xa1: {  	s23 =	simm.s32 $0x1B8B  }
0xa2: {  	_ =	swait.ge [sflag:s23], $0x1  }
0xa3: {  	[sflag:s23] =	ssyncset.done $0x0  }
0xa4: {  	[sflag:s23] =	ssyncadd.s32 $0xFFFFFFFF  }
0xa5: {  	s5 =	sld [smem:$0x0]  }
0xa6: {  	s6 =	sand.u32 $0xFFFFFFFE, s1  }
0xa7: {  	p0 =	sne.s32 s1, s6  }
0xa8: {  	s6 =	sshll.u32 @p0 s6, $0xE  }
0xa9: {  	s6 =	sadd.s32 @p0 $0x11B8D, s6;
	s7 =	sshll.u32 @p0 s5, $0x11  }
0xaa: {  	s6 =	sor.u32 @p0 s7, s6  }
0xab: {  	[sflag:s6] =	ssyncadd.remote.s32 @p0 $0x1;
	_ =	sdelay $0x1  }
0xac: {  	s6 =	simm.s32 @p0 $0x1B8D  }
0xad: {  	_ =	swait.eq @p0 [sflag:s6], $0x1  }
0xae: {  	[sflag:s6] =	ssyncadd.s32 @p0 $0xFFFFFFFF  }
0xaf: {  	s7 =	sshll.u32 @!p0 s1, $0xE  }
0xb0: {  	s7 =	sor.u32 @!p0 $0x4000, s7;
	s6 =	simm.s32 @!p0 $0x1B8D  }
0xb1: {  	s5 =	sshll.u32 @!p0 s5, $0x11;
	s7 =	sadd.s32 @!p0 $0x11B8D, s7;
	_ =	swait.eq @!p0 [sflag:s6], $0x1  }
0xb2: {  	s5 =	sor.u32 @!p0 s5, s7;
	[sflag:s6] =	ssyncadd.s32 @!p0 $0xFFFFFFFF  }
0xb3: {  	s25 =	simm.s32 $0x1B8E;
	s24 =	sld [smem:$0x3FFE];
	[sflag:s5] =	ssyncadd.remote.s32 @!p0 $0x1  }
0xb4: {  	s26 =	simm.s32 $execute0_lowered;
	[smem:$0x3FD2] =	sst s25  }
0xb5: {  	s6 =	sshll.u32 s26, $0x1;
	_ =	strace $0x8000004C;
	[dreg:$0x1] =	wrdreg $0xFFFFFFFF  }
0xb6: {  	s28 =	simm.s32 $_size_execute0_lowered;
	s4 =	sadd.s32 s4, s6;
	[dreg:$0x0] =	wrdreg $0x0  }
0xb7: {  	s6 =	sshll.u32 s28, $0x1;
	[dreg:$0x2] =	wrdreg s4  }
0xb8: {  	[dreg:$0x3] =	wrdreg s6  }
0xb9: {  	[dreg:$0x4] =	wrdreg $0xC0  }
0xba: {  	_ =	task [dreg:s22], $0x5FFFF  }
0xbb: {  	[dreg:$0x1] =	wrdreg $0xFFFFFFFF  }
0xbc: {  	[dreg:$0x0] =	wrdreg $0x60  }
0xbd: {  	[dreg:$0x2] =	wrdreg s24  }
0xbe: {  	[dreg:$0x3] =	wrdreg s18  }
0xbf: {  	[dreg:$0x4] =	wrdreg $0x9  }
0xc0: {  	_ =	task.clear_ibuf [dreg:s22], $0x5FFFF;
	_ =	strace $0x9000004C  }
0xc1: {  	s29 =	simm.s32 $0x9;
	_ =	strace $0x8000004E  }
0xc2: {  	_ =	swait.ge [sflag:s29], $0x1  }
0xc3: {  	[sflag:s29] =	ssyncadd.s32 $0xFFFFFFFF  }
0xc4: {  	_ =	strace $0x9000004E  }
0xc5: {  	_ =	sfence  }
0xc6: {  	s30 =	sld [smem:$0x0];
	_ =	sdelay $0x2  }
0xc7: {  	s31 =	sshll.u32 s1, $0xD;
	s1 =	sshrl.u32 s1, $0x2  }
0xc8: {  	s4 =	sand.u32 $0x4000, s31;
	s1 =	sadd.s32 s1, s30  }
0xc9: {  	s0 =	sor.u32 s4, s0;
	s1 =	sshll.u32 s1, $0x11  }
0xca: {  	s0 =	sor.u32 s1, s0  }
0xcb: {  	s0 =	sadd.s32 $0x8F2B, s0  }
0xcc: {  	[sflag:s0] =	ssyncadd.remote.s32 $0x1  }
0xcd: {  	_ =	sfence.sel $0xFFFF  }
0xce: {  	[dreg:$0x0] =	wrdreg $0xFFFFFFFF;
	(pc) =	sbr.abs _section_cstart, $3  }
0xcf: {  	[dreg:$0x1] =	wrdreg $0xFFFFFFFF  }
0xd0: {  	_ =	task.clear_ibuf [dreg:s22], $0x2FFFF;
	_ =	strace $0x9FFFFFFF  }
0xd1: {  	(tm) =	ssettm $0x7FFFFFFF  }
tec
execute0_lowered:
.L_overlay_start_1:
0x0: {  	(tag) =	ssettag $0x1  }
0x1: {  	s4 =	rddreg [dreg:$0x0]  }
0x2: {  	s6 =	rddreg [dreg:$0x1]  }
0x3: {  	s0 =	rddreg [dreg:$0x2];
	s1 =	stileid.u32  }
0x4: {  	s2 =	simm.s32 $0x0;
	s3 =	srdreg.scid;
	s12 =	simm.s32 $0x2080  }
0x5: {  	s13 =	simm.s32 $0x2880;
	s14 =	simm.s32 $0x3080;
	s15 =	simm.s32 $0x3880  }
0x6: {  	s16 =	simm.s32 $0x4080;
	s17 =	simm.s32 $0x4880;
	s18 =	simm.s32 $0x5080  }
0x7: {  	s19 =	simm.s32 $0x5880;
	s20 =	simm.s32 $0x6080;
	s21 =	simm.s32 $0x6880  }
0x8: {  	s22 =	simm.s32 $0x7080;
	s23 =	simm.s32 $0x7880;
	s5 =	smul.u32 $0x14000, s1  }
0x9: {  	s24 =	simm.s32 $0x1;
	s7 =	sand.u32 $0x1, s3;
	s8 =	smul.u32 $0xA00, s1  }
0xa: {  	s25 =	simm.s32 $0x0;
	[smem:$0x7FF] =	sst s2;
	s10 =	smul.u32 $0x500, s7  }
0xb: {  	s3 =	sadd.s32 $0x2B6600, s4;
	s9 =	ssub.s32 $0x2, s7;
	s7 =	smul.u32 $0xA000, s7  }
0xc: {  	_ =	strace $0x8000004D;
	s11 =	sshrl.u32 s9, $0x1;
	s5 =	sadd.s32 s5, s4  }
0xd: {  	s30 =	ssub.s32 s9, s11;
	s8 =	sadd.s32 s10, s8;
	s5 =	sadd.s32 s7, s5  }
0xe: {  	v2 =	vlaneseq.u32;
	s7 =	simm.s32 $0x2;
	s9 =	simm.s32 $0x880;
	s10 =	simm.s32 $0x1080  }
0xf: {  	vm0 =	vmmov $0xffff;
	v1 =	vshrl.u32 v2, $0x3;
	s11 =	simm.s32 $0x1880;
	s4 =	smax.u32 s30, $0x1;
	s31 =	sshrl.u32 s8, $0x3  }
0x10: {  	v0 =	vand.u32 $0x7, v2;
	v2 =	vor.u32 $0x8, v2;
	v1 =	vmul.u32 $0x8, v1;
	s5 =	sadd.s32 $0x2C6600, s5;
	s8 =	simm.s32 $0x80;
	s6 =	sadd.s32 s31, s6  }
.LBB2_1:
0x11: {  	s26 =	smov.u32 s5;
	s28 =	simm.s32 $0x0  }
.LBB2_2:
0x12: {  	s29 =	sadd.s32 s28, s6  }
0x13: {  	[tilespmem:s2], [sflag:$0x2] =	stream.linear.gather [hbm4b:s29+s2], $0x80, $0x38;
	[tilespmem:$0x8080] =	vst v63  }
0x14: {  	_ =	swait.ge [sflag:s7], $0x80  }
0x15: {  	[sflag:s7] =	ssyncset.done $0x0  }
0x16: {  	[sflag:s7] =	ssyncadd.s32 $0xFFFFFF80  }
0x17: {  	v3 =	vld [tilespmem:$0x0];
	_ =	sdelay $0x4  }
0x18: {  	v4 =	vshll.u32 v3, $0x1  }
0x19: {  	v3 =	vand.u32 $0x7, v3;
	v4 =	vand.u32 $0xFFFFFFF0, v4  }
0x1a: {  	v3 =	vor.u32 v3, v4  }
0x1b: {  	v4 =	vperm.xlane v3, v0;
	_ =	sdelay $0x1  }
0x1c: {  	v3 =	vperm.xlane v3, v2;
	v4 =	vadd.s32 v1, v4;
	_ =	sdelay $0x1  }
0x1d: {  	v3 =	vadd.s32 v1, v3;
	_ =	sdelay $0x2  }
0x1e: {  	[tilespmem:s8], [sflag:$0x1] =	stream.indirect_vreg.gather [hbm4b:s3+s2], $0x80, v4, vm0, $0xb8;
	[tilespmem:$0x8080] =	vst v63  }
0x1f: {  	_ = 	snop  }
0x20: {  	[tilespmem:s9], [sflag:$0x1] =	stream.indirect_vreg.gather [hbm4b:s3+s2], $0x80, v3, vm0, $0xb8;
	[tilespmem:$0x8080] =	vst v63  }
0x21: {  	v3 =	vld [tilespmem:$0x10];
	_ =	sdelay $0x4  }
0x22: {  	v57 =	vshll.u32 v3, $0x1  }
0x23: {  	v3 =	vand.u32 $0x7, v3;
	v4 =	vand.u32 $0xFFFFFFF0, v57  }
0x24: {  	v3 =	vor.u32 v3, v4  }
0x25: {  	v4 =	vperm.xlane v3, v0;
	_ =	sdelay $0x1  }
0x26: {  	v3 =	vperm.xlane v3, v2;
	v4 =	vadd.s32 v1, v4;
	_ =	sdelay $0x1  }
0x27: {  	v3 =	vadd.s32 v1, v3;
	_ =	sdelay $0x2  }
0x28: {  	[tilespmem:s10], [sflag:$0x1] =	stream.indirect_vreg.gather [hbm4b:s3+s2], $0x80, v4, vm0, $0xb8;
	[tilespmem:$0x8080] =	vst v63  }
0x29: {  	_ = 	snop  }
0x2a: {  	[tilespmem:s11], [sflag:$0x1] =	stream.indirect_vreg.gather [hbm4b:s3+s2], $0x80, v3, vm0, $0xb8;
	[tilespmem:$0x8080] =	vst v63  }
0x2b: {  	v3 =	vld [tilespmem:$0x20];
	_ =	sdelay $0x4  }
0x2c: {  	v58 =	vshll.u32 v3, $0x1  }
0x2d: {  	v3 =	vand.u32 $0x7, v3;
	v4 =	vand.u32 $0xFFFFFFF0, v58  }
0x2e: {  	v3 =	vor.u32 v3, v4  }
0x2f: {  	v4 =	vperm.xlane v3, v0;
	_ =	sdelay $0x1  }
0x30: {  	v3 =	vperm.xlane v3, v2;
	v4 =	vadd.s32 v1, v4;
	_ =	sdelay $0x1  }
0x31: {  	v3 =	vadd.s32 v1, v3;
	_ =	sdelay $0x2  }
0x32: {  	[tilespmem:s12], [sflag:$0x1] =	stream.indirect_vreg.gather [hbm4b:s3+s2], $0x80, v4, vm0, $0xb8;
	[tilespmem:$0x8080] =	vst v63  }
0x33: {  	_ = 	snop  }
0x34: {  	[tilespmem:s13], [sflag:$0x1] =	stream.indirect_vreg.gather [hbm4b:s3+s2], $0x80, v3, vm0, $0xb8;
	[tilespmem:$0x8080] =	vst v63  }
0x35: {  	v3 =	vld [tilespmem:$0x30];
	_ =	sdelay $0x4  }
0x36: {  	v59 =	vshll.u32 v3, $0x1  }
0x37: {  	v3 =	vand.u32 $0x7, v3;
	v4 =	vand.u32 $0xFFFFFFF0, v59  }
0x38: {  	v3 =	vor.u32 v3, v4  }
0x39: {  	v4 =	vperm.xlane v3, v0;
	_ =	sdelay $0x1  }
0x3a: {  	v3 =	vperm.xlane v3, v2;
	v4 =	vadd.s32 v1, v4;
	_ =	sdelay $0x1  }
0x3b: {  	v3 =	vadd.s32 v1, v3;
	_ =	sdelay $0x2  }
0x3c: {  	[tilespmem:s14], [sflag:$0x1] =	stream.indirect_vreg.gather [hbm4b:s3+s2], $0x80, v4, vm0, $0xb8;
	[tilespmem:$0x8080] =	vst v63  }
0x3d: {  	_ = 	snop  }
0x3e: {  	[tilespmem:s15], [sflag:$0x1] =	stream.indirect_vreg.gather [hbm4b:s3+s2], $0x80, v3, vm0, $0xb8;
	[tilespmem:$0x8080] =	vst v63  }
0x3f: {  	v3 =	vld [tilespmem:$0x40];
	_ =	sdelay $0x4  }
0x40: {  	v60 =	vshll.u32 v3, $0x1  }
0x41: {  	v3 =	vand.u32 $0x7, v3;
	v4 =	vand.u32 $0xFFFFFFF0, v60  }
0x42: {  	v3 =	vor.u32 v3, v4  }
0x43: {  	v4 =	vperm.xlane v3, v0;
	_ =	sdelay $0x1  }
0x44: {  	v3 =	vperm.xlane v3, v2;
	v4 =	vadd.s32 v1, v4;
	_ =	sdelay $0x1  }
0x45: {  	v3 =	vadd.s32 v1, v3;
	_ =	sdelay $0x2  }
0x46: {  	[tilespmem:s16], [sflag:$0x1] =	stream.indirect_vreg.gather [hbm4b:s3+s2], $0x80, v4, vm0, $0xb8;
	[tilespmem:$0x8080] =	vst v63  }
0x47: {  	_ = 	snop  }
0x48: {  	[tilespmem:s17], [sflag:$0x1] =	stream.indirect_vreg.gather [hbm4b:s3+s2], $0x80, v3, vm0, $0xb8;
	[tilespmem:$0x8080] =	vst v63  }
0x49: {  	v3 =	vld [tilespmem:$0x50];
	_ =	sdelay $0x4  }
0x4a: {  	v61 =	vshll.u32 v3, $0x1  }
0x4b: {  	v3 =	vand.u32 $0x7, v3;
	v4 =	vand.u32 $0xFFFFFFF0, v61  }
0x4c: {  	v3 =	vor.u32 v3, v4  }
0x4d: {  	v4 =	vperm.xlane v3, v0;
	_ =	sdelay $0x1  }
0x4e: {  	v3 =	vperm.xlane v3, v2;
	v4 =	vadd.s32 v1, v4;
	_ =	sdelay $0x1  }
0x4f: {  	v3 =	vadd.s32 v1, v3;
	_ =	sdelay $0x2  }
0x50: {  	[tilespmem:s18], [sflag:$0x1] =	stream.indirect_vreg.gather [hbm4b:s3+s2], $0x80, v4, vm0, $0xb8;
	[tilespmem:$0x8080] =	vst v63  }
0x51: {  	_ = 	snop  }
0x52: {  	[tilespmem:s19], [sflag:$0x1] =	stream.indirect_vreg.gather [hbm4b:s3+s2], $0x80, v3, vm0, $0xb8;
	[tilespmem:$0x8080] =	vst v63  }
0x53: {  	v3 =	vld [tilespmem:$0x60];
	_ =	sdelay $0x4  }
0x54: {  	v62 =	vshll.u32 v3, $0x1  }
0x55: {  	v3 =	vand.u32 $0x7, v3;
	v4 =	vand.u32 $0xFFFFFFF0, v62  }
0x56: {  	v3 =	vor.u32 v3, v4  }
0x57: {  	v4 =	vperm.xlane v3, v0;
	_ =	sdelay $0x1  }
0x58: {  	v3 =	vperm.xlane v3, v2;
	v4 =	vadd.s32 v1, v4;
	_ =	sdelay $0x1  }
0x59: {  	v3 =	vadd.s32 v1, v3;
	_ =	sdelay $0x2  }
0x5a: {  	[tilespmem:s20], [sflag:$0x1] =	stream.indirect_vreg.gather [hbm4b:s3+s2], $0x80, v4, vm0, $0xb8;
	[tilespmem:$0x8080] =	vst v63  }
0x5b: {  	_ = 	snop  }
0x5c: {  	[tilespmem:s21], [sflag:$0x1] =	stream.indirect_vreg.gather [hbm4b:s3+s2], $0x80, v3, vm0, $0xb8;
	[tilespmem:$0x8080] =	vst v63  }
0x5d: {  	v3 =	vld [tilespmem:$0x70];
	_ =	sdelay $0x4  }
0x5e: {  	v63 =	vshll.u32 v3, $0x1  }
0x5f: {  	v3 =	vand.u32 $0x7, v3;
	v4 =	vand.u32 $0xFFFFFFF0, v63  }
0x60: {  	v3 =	vor.u32 v3, v4  }
0x61: {  	v4 =	vperm.xlane v3, v0;
	_ =	sdelay $0x1  }
0x62: {  	v3 =	vperm.xlane v3, v2;
	v4 =	vadd.s32 v1, v4;
	_ =	sdelay $0x1  }
0x63: {  	v3 =	vadd.s32 v1, v3;
	_ =	sdelay $0x2  }
0x64: {  	[tilespmem:s22], [sflag:$0x1] =	stream.indirect_vreg.gather [hbm4b:s3+s2], $0x80, v4, vm0, $0xb8;
	[tilespmem:$0x8080] =	vst v63  }
0x65: {  	_ = 	snop  }
0x66: {  	[tilespmem:s23], [sflag:$0x1] =	stream.indirect_vreg.gather [hbm4b:s3+s2], $0x80, v3, vm0, $0xb8;
	[tilespmem:$0x8080] =	vst v63  }
0x67: {  	_ =	swait.ge [sflag:s24], $0x8000  }
0x68: {  	p0 =	sne.s32 s28, $0x90;
	[sflag:s24] =	ssyncset.done $0x0  }
.Ltmp0:
0x69: {  	[sflag:s24] =	ssyncadd.s32 $0xFFFF8000;
	(pc) =	sbr.rel @p0 .LBB2_2-.Ltmp0, $4  }
0x6a: {  	[hbm4b:s26+s2] =	stream.linear.scatter [tilespmem:s8], [sflag:$0x2], $0x8000, $0x38;
	[tilespmem:$0x8080] =	vst v63  }
0x6b: {  	_ =	swait.ge [sflag:s7], $0x8000  }
0x6c: {  	[sflag:s7] =	ssyncset.done $0x0  }
0x6d: {  	s28 =	sadd.s32 $0x10, s28;
	s26 =	sadd.s32 $0x1000, s26;
	[sflag:s7] =	ssyncadd.s32 $0xFFFF8000  }
0x6e: {  	s25 =	sadd.s32 $0x1, s25  }
0x6f: {  	p0 =	sne.s32 s25, s4  }
.Ltmp1:
0x70: {  	_ = 	snop;
	(pc) =	sbr.rel @p0 .LBB2_1-.Ltmp1, $1  }
0x71: {  	_ =	sdelay $0x3  }
0x72: {  	_ =	sfence.sel $0x180000  }
0x73: {  	[bflag:$0x0] =	sbarrier.arrive $0xFFFF  }
0x74: {  	p0 =	sne.s32 s1, $0x0;
	_ =	strace $0x9000004D  }
0x75: {  	s0 =	sadd.s32 @!p0 $0x100000, s0;
	[bflag:$0x2] =	sbarrier.arrive $0xFFFF  }
0x76: {  	[sflag:s0] =	ssyncadd.tile.s32 @!p0 $0x1;
	_ =	shalt  }
.Lfunc_end2:
_tile_overlayer_lowered:
.L_overlay_start_2:
0x77: {  	(tag) =	ssettag $0x2  }
0x78: {  	s0 =	rddreg [dreg:$0x0];
	s2 =	stileid.u32  }
0x79: {  	s1 =	rddreg [dreg:$0x1];
	p0 =	sne.s32 s2, $0x0  }
0x7a: {  	s3 =	rddreg [dreg:$0x2];
	[bflag:$0x3] =	sbarrier.arrive $0xFFFF;
	s2 =	simm.s32 @!p0 $0x1C02  }
0x7b: {  	[timem:s3], [sflag:s2] =	dma.local @!p0 [hbm:s0], s1  }
0x7c: {  	s0 =	simm.s32 @!p0 $0x2  }
0x7d: {  	_ =	swait.ge @!p0 [sflag:s0], s1  }
0x7e: {  	s1 =	ssub.s32 @!p0 $0x0, s1;
	[sflag:s0] =	ssyncset.done @!p0 $0x0  }
0x7f: {  	[sflag:s0] =	ssyncadd.s32 @!p0 s1  }
0x80: {  	[bflag:$0x3] =	sbarrier.arrive $0xFFFF  }
0x81: {  	_ =	shalt  }

// kernel: kernel.18.cloned.1.call-start
scs
__scs_entry_jumppad:
0x0: {  	(pc) =	sbr.rel $0x88, $3  }
0x1: {  	(tag) =	ssettag $0x0;
	lr =	simm.s32 $0x1  }
0x2: {  	[smem:$0x3F94] =	sst lr;
	_ =	strace $0xD0000000  }
0x3: {  	_ = 	snop  }
0x4: {  	_ = 	snop  }
0x5: {  	_ = 	snop  }
0x6: {  	_ = 	snop  }
0x7: {  	_ = 	snop  }
__scs_overlays_trampoline_lowered:
0x8: {  	[smem:$0x3FA3] =	sst s0  }
0x9: {  	[smem:$0x3FA4] =	sst s1  }
0xa: {  	[smem:$0x3FA5] =	sst s2  }
0xb: {  	[smem:$0x3FA6] =	sst s3  }
0xc: {  	[smem:$0x3FA7] =	sst s4  }
0xd: {  	[smem:$0x3FA8] =	sst s5  }
0xe: {  	[smem:$0x3FA9] =	sst s6  }
0xf: {  	[smem:$0x3FAA] =	sst s7  }
0x10: {  	[smem:$0x3FAB] =	sst s8  }
0x11: {  	[smem:$0x3FAC] =	sst s9;
	s0 =	simm.s32 @!p0 $0x0  }
0x12: {  	s1 =	sld [smem:$0x3F92];
	s0 =	simm.s32 @p0 $0x1  }
0x13: {  	[smem:$0x3FAD] =	sst s0;
	s0 =	simm.s32 @!p1 $0x0  }
0x14: {  	s2 =	sld [smem:$0x3F91];
	s0 =	simm.s32 @p1 $0x1  }
0x15: {  	[smem:$0x3FAE] =	sst s0;
	s0 =	simm.s32 @!p2 $0x0  }
0x16: {  	s3 =	sld [smem:$0x3FDB];
	s0 =	simm.s32 @p2 $0x1  }
0x17: {  	s4 =	simm.s32 $0x1BF5;
	[smem:$0x3FB0] =	sst s0  }
0x18: {  	s0 =	sld [smem:$0x3F93];
	_ =	swait.ge [sflag:s4], $0x0  }
0x19: {  	s7 =	sld [smem:$0x3F94]  }
0x1a: {  	s8 =	sadd.s32 $0xFFFFE003, lr  }
0x1b: {  	s9 =	sadd.s32 $0xFFFFFEF7, lr;
	s5 =	simm.s32 $0xFFFFFFFF;
	p2 =	slt.u32 s8, $0xFFFFF086  }
0x1c: {  	p1 =	slt.u32 s9, $0xF7A;
	s5 =	simm.s32 @!p2 $0x0  }
0x1d: {  	s5 =	simm.s32 @p1 $0x1;
	p0 =	seq.s32 s7, s2  }
0x1e: {  	s7 =	smul.u32 @!p0 $0xF7A, s2;
	p2 =	seq.s32 @!p0 s5, $0x0  }
0x1f: {  	s9 =	smul.u32 $0xF7A, s1;
	s8 =	simm.s32 @!p0 $0x1BF5;
	p2 =	por !p2, p0  }
0x20: {  	[sflag:s8] =	ssyncset.s32 @!p0 $0xFFFFF086;
	s6 =	sadd.s32 @!p0 s3, s7;
	s7 =	simm.s32 @!p0 $0x108  }
0x21: {  	s3 =	sadd.s32 s3, s9;
	s6 =	sadd.s32 @!p0 $0x88, s6;
	s7 =	simm.s32 @p2 $0x1082  }
0x22: {  	[simem:s7], [sflag:s8] =	dma.local @!p0 [hbm:s6], $0xF7A  }
0x23: {  	s9 =	sor.u32 $0xD0000000, s2;
	s6 =	simm.s32 $0x108;
	_ =	swait.ge @!p0 [sflag:s8], $0x0  }
0x24: {  	s3 =	sadd.s32 $0x88, s3;
	s6 =	simm.s32 @!p1 $0x1082;
	[sflag:s4] =	ssyncset.s32 $0xFFFFF086  }
0x25: {  	[simem:s6], [sflag:s4] =	dma.local [hbm:s3], $0xF7A  }
0x26: {  	[smem:$0x3F94] =	sst s1;
	(tag) =	ssettag s2;
	_ =	strace s9  }
0x27: {  	s1 =	sld [smem:$0x3FA4]  }
0x28: {  	s2 =	sld [smem:$0x3FA5]  }
0x29: {  	s4 =	sld [smem:$0x3FA7]  }
0x2a: {  	p0 =	seq.s32 s5, $0x0;
	s5 =	sld [smem:$0x3FA8]  }
0x2b: {  	s6 =	sld [smem:$0x3FA9]  }
0x2c: {  	s7 =	sld [smem:$0x3FAA]  }
0x2d: {  	s3 =	simm.s32 $0x108;
	s8 =	sld [smem:$0x3FAB]  }
0x2e: {  	s3 =	simm.s32 @!p0 $0x1082;
	s9 =	sld [smem:$0x3FAC]  }
0x2f: {  	lr =	sadd.s32 s0, s3;
	s0 =	sld [smem:$0x3FA3]  }
0x30: {  	s3 =	sld [smem:$0x3FA6]  }
0x31: {  	[smem:$0x3FAF] =	sst s10  }
0x32: {  	s10 =	sld [smem:$0x3FAD];
	_ =	sdelay $0x3  }
0x33: {  	p0 =	seq.s32 s10, $0x1;
	s10 =	sld [smem:$0x3FAF];
	_ =	sdelay $0x3  }
0x34: {  	[smem:$0x3FAF] =	sst s10  }
0x35: {  	s10 =	sld [smem:$0x3FAE];
	_ =	sdelay $0x3  }
0x36: {  	p1 =	seq.s32 s10, $0x1;
	s10 =	sld [smem:$0x3FAF];
	_ =	sdelay $0x3  }
0x37: {  	[smem:$0x3FAF] =	sst s10  }
0x38: {  	s10 =	sld [smem:$0x3FB0]  }
0x39: {  	_ = 	snop;
	(pc) =	sbr.ind lr, $3  }
0x3a: {  	_ = 	snop  }
0x3b: {  	_ = 	snop  }
0x3c: {  	p2 =	seq.s32 s10, $0x1;
	s10 =	sld [smem:$0x3FAF]  }
0x3d: {  	_ =	shalt  }
0x3e: {  	_ =	shalt  }
0x3f: {  	_ =	shalt  }
0x40: {  	_ =	shalt  }
0x41: {  	_ =	shalt  }
0x42: {  	_ =	shalt  }
0x43: {  	_ =	shalt  }
0x44: {  	_ =	shalt  }
0x45: {  	_ =	shalt  }
0x46: {  	_ =	shalt  }
0x47: {  	_ =	shalt  }
0x48: {  	_ =	shalt  }
0x49: {  	_ =	shalt  }
0x4a: {  	_ =	shalt  }
0x4b: {  	_ =	shalt  }
0x4c: {  	_ =	shalt  }
0x4d: {  	_ =	shalt  }
0x4e: {  	_ =	shalt  }
0x4f: {  	_ =	shalt  }
0x50: {  	_ =	shalt  }
0x51: {  	_ =	shalt  }
0x52: {  	_ =	shalt  }
0x53: {  	_ =	shalt  }
0x54: {  	_ =	shalt  }
0x55: {  	_ =	shalt  }
0x56: {  	_ =	shalt  }
0x57: {  	_ =	shalt  }
0x58: {  	_ =	shalt  }
0x59: {  	_ =	shalt  }
0x5a: {  	_ =	shalt  }
0x5b: {  	_ =	shalt  }
0x5c: {  	_ =	shalt  }
0x5d: {  	_ =	shalt  }
0x5e: {  	_ =	shalt  }
0x5f: {  	_ =	shalt  }
0x60: {  	_ =	shalt  }
0x61: {  	_ =	shalt  }
0x62: {  	_ =	shalt  }
0x63: {  	_ =	shalt  }
0x64: {  	_ =	shalt  }
0x65: {  	_ =	shalt  }
0x66: {  	_ =	shalt  }
0x67: {  	_ =	shalt  }
0x68: {  	_ =	shalt  }
0x69: {  	_ =	shalt  }
0x6a: {  	_ =	shalt  }
0x6b: {  	_ =	shalt  }
0x6c: {  	_ =	shalt  }
0x6d: {  	_ =	shalt  }
0x6e: {  	_ =	shalt  }
0x6f: {  	_ =	shalt  }
0x70: {  	_ =	shalt  }
0x71: {  	_ =	shalt  }
0x72: {  	_ =	shalt  }
0x73: {  	_ =	shalt  }
0x74: {  	_ =	shalt  }
0x75: {  	_ =	shalt  }
0x76: {  	_ =	shalt  }
0x77: {  	_ =	shalt  }
0x78: {  	_ =	shalt  }
0x79: {  	_ =	shalt  }
0x7a: {  	_ =	shalt  }
0x7b: {  	_ =	shalt  }
0x7c: {  	_ =	shalt  }
0x7d: {  	_ =	shalt  }
0x7e: {  	_ =	shalt  }
0x7f: {  	_ =	shalt  }
0x80: {  	_ =	shalt  }
0x81: {  	_ =	shalt  }
0x82: {  	_ =	shalt  }
0x83: {  	_ =	shalt  }
0x84: {  	_ =	shalt  }
0x85: {  	_ =	shalt  }
0x86: {  	_ =	shalt  }
0x87: {  	_ =	shalt  }
.Lfunc_end0:
.L_simem_size_0:
called_computation.1_lowered:
.L_overlay_start_0:
0x88: {  	s2 =	sld [smem:$0x3FD9]  }
0x89: {  	s3 =	sld [smem:$0x3FFE];
	_ =	sdelay $0x1  }
0x8a: {  	s1 =	srdreg.scid  }
0x8b: {  	s0 =	sand.u32 $0x1, s1  }
0x8c: {  	s17 =	sshll.u32 s0, $0xA;
	s2 =	sadd.s32 s3, s2  }
0x8d: {  	s2 =	sadd.s32 s2, s17  }
0x8e: {  	[smem:$0x3FBB] =	sst s2  }
0x8f: {  	_ = 	snop  }
0x90: {  	(tm) =	ssettm $0x1  }
0x91: {  	s18 =	sld [smem:$0x3FFB];
	_ =	sdelay $0x3  }
0x92: {  	_ =	strace s18  }
0x93: {  	s2 =	sld [smem:$0x3FFC];
	_ =	sdelay $0x3  }
0x94: {  	_ =	strace s2  }
0x95: {  	s2 =	sld [smem:$0x3FFD];
	_ =	sdelay $0x3  }
0x96: {  	_ =	strace s2  }
0x97: {  	_ =	strace $0x8FFFFFFF  }
0x98: {  	s19 =	sld [smem:$0x3FDB];
	_ =	sdelay $0x1  }
0x99: {  	s20 =	simm.s32 $_scs_section_size  }
0x9a: {  	s4 =	simm.s32 $_size__tile_overlayer_lowered;
	s5 =	simm.s32 $_tile_overlayer_lowered  }
0x9b: {  	s6 =	simm.s32 $0x1BFF;
	s21 =	sshll.u32 s5, $0x1;
	s3 =	sadd.s32 s20, s19  }
0x9c: {  	s22 =	simm.s32 $0x0;
	s4 =	sshll.u32 s4, $0x1;
	s5 =	sadd.s32 s21, s3  }
0x9d: {  	[timem:s22], [sflag:s6] =	dma.local [hbm:s5], s4  }
0x9e: {  	_ =	swait.ge [sflag:s6], s4  }
0x9f: {  	s4 =	ssub.s32 $0x0, s4;
	[sflag:s6] =	ssyncset.done $0x0  }
0xa0: {  	[sflag:s6] =	ssyncadd.s32 s4;
	_ =	sdelay $0x1  }
0xa1: {  	s23 =	simm.s32 $0x1B8B  }
0xa2: {  	_ =	swait.ge [sflag:s23], $0x1  }
0xa3: {  	[sflag:s23] =	ssyncset.done $0x0  }
0xa4: {  	[sflag:s23] =	ssyncadd.s32 $0xFFFFFFFF  }
0xa5: {  	s4 =	sld [smem:$0x0]  }
0xa6: {  	s5 =	sand.u32 $0xFFFFFFFE, s1  }
0xa7: {  	p0 =	sne.s32 s1, s5  }
0xa8: {  	s5 =	sshll.u32 @p0 s5, $0xE  }
0xa9: {  	s5 =	sadd.s32 @p0 $0x11B8D, s5;
	s6 =	sshll.u32 @p0 s4, $0x11  }
0xaa: {  	s5 =	sor.u32 @p0 s6, s5  }
0xab: {  	[sflag:s5] =	ssyncadd.remote.s32 @p0 $0x1;
	_ =	sdelay $0x1  }
0xac: {  	s5 =	simm.s32 @p0 $0x1B8D  }
0xad: {  	_ =	swait.eq @p0 [sflag:s5], $0x1  }
0xae: {  	[sflag:s5] =	ssyncadd.s32 @p0 $0xFFFFFFFF  }
0xaf: {  	s6 =	sshll.u32 @!p0 s1, $0xE  }
0xb0: {  	s6 =	sor.u32 @!p0 $0x4000, s6;
	s5 =	simm.s32 @!p0 $0x1B8D  }
0xb1: {  	s4 =	sshll.u32 @!p0 s4, $0x11;
	s6 =	sadd.s32 @!p0 $0x11B8D, s6;
	_ =	swait.eq @!p0 [sflag:s5], $0x1  }
0xb2: {  	s4 =	sor.u32 @!p0 s4, s6;
	[sflag:s5] =	ssyncadd.s32 @!p0 $0xFFFFFFFF  }
0xb3: {  	s25 =	simm.s32 $0x1B8E;
	s24 =	sld [smem:$0x3FFE];
	[sflag:s4] =	ssyncadd.remote.s32 @!p0 $0x1  }
0xb4: {  	s26 =	simm.s32 $execute0_lowered;
	[smem:$0x3FD2] =	sst s25  }
0xb5: {  	s5 =	sshll.u32 s26, $0x1;
	_ =	strace $0x8000004F;
	[dreg:$0x1] =	wrdreg $0xFFFFFFFF  }
0xb6: {  	s28 =	simm.s32 $_size_execute0_lowered;
	s3 =	sadd.s32 s3, s5;
	[dreg:$0x0] =	wrdreg $0x0  }
0xb7: {  	s5 =	sshll.u32 s28, $0x1;
	[dreg:$0x2] =	wrdreg s3  }
0xb8: {  	[dreg:$0x3] =	wrdreg s5  }
0xb9: {  	[dreg:$0x4] =	wrdreg $0xC0  }
0xba: {  	_ =	task [dreg:s22], $0x5FFFF  }
0xbb: {  	[dreg:$0x1] =	wrdreg $0xFFFFFFFF  }
0xbc: {  	[dreg:$0x0] =	wrdreg $0x60  }
0xbd: {  	[dreg:$0x2] =	wrdreg s24  }
0xbe: {  	[dreg:$0x3] =	wrdreg $0xA  }
0xbf: {  	_ =	task.clear_ibuf [dreg:s22], $0x4FFFF;
	_ =	strace $0x9000004F  }
0xc0: {  	s29 =	simm.s32 $0xA;
	_ =	strace $0x80000051  }
0xc1: {  	_ =	swait.ge [sflag:s29], $0x1  }
0xc2: {  	[sflag:s29] =	ssyncadd.s32 $0xFFFFFFFF  }
0xc3: {  	_ =	strace $0x90000051  }
0xc4: {  	_ =	sfence  }
0xc5: {  	s30 =	sld [smem:$0x0];
	_ =	sdelay $0x2  }
0xc6: {  	s31 =	sshll.u32 s1, $0xD;
	s1 =	sshrl.u32 s1, $0x2  }
0xc7: {  	s4 =	sand.u32 $0x4000, s31;
	s1 =	sadd.s32 s1, s30  }
0xc8: {  	s0 =	sor.u32 s4, s0;
	s1 =	sshll.u32 s1, $0x11  }
0xc9: {  	s0 =	sor.u32 s1, s0  }
0xca: {  	s0 =	sadd.s32 $0x8F2B, s0  }
0xcb: {  	[sflag:s0] =	ssyncadd.remote.s32 $0x1  }
0xcc: {  	_ =	sfence.sel $0xFFFF  }
0xcd: {  	[dreg:$0x0] =	wrdreg $0xFFFFFFFF;
	(pc) =	sbr.abs _section_cstart, $3  }
0xce: {  	[dreg:$0x1] =	wrdreg $0xFFFFFFFF  }
0xcf: {  	_ =	task.clear_ibuf [dreg:s22], $0x2FFFF;
	_ =	strace $0x9FFFFFFF  }
0xd0: {  	(tm) =	ssettm $0x7FFFFFFF  }
0xd1: {  	_ =	shalt  }
tec
execute0_lowered:
.L_overlay_start_1:
0x0: {  	(tag) =	ssettag $0x1  }
0x1: {  	s4 =	rddreg [dreg:$0x0]  }
0x2: {  	s0 =	rddreg [dreg:$0x1];
	s2 =	simm.s32 $0x0;
	s3 =	srdreg.scid  }
0x3: {  	s1 =	stileid.u32;
	s10 =	simm.s32 $0x1080;
	s11 =	simm.s32 $0x1880  }
0x4: {  	s12 =	simm.s32 $0x2080;
	s13 =	simm.s32 $0x2880;
	s14 =	simm.s32 $0x3080  }
0x5: {  	s15 =	simm.s32 $0x3880;
	s16 =	simm.s32 $0x4080;
	s17 =	simm.s32 $0x4880  }
0x6: {  	s18 =	simm.s32 $0x5080;
	s19 =	simm.s32 $0x5880;
	s20 =	simm.s32 $0x6080  }
0x7: {  	s21 =	simm.s32 $0x6880;
	s22 =	simm.s32 $0x7080;
	s23 =	simm.s32 $0x7880  }
0x8: {  	s24 =	simm.s32 $0x1;
	s25 =	simm.s32 $0x0;
	s6 =	smul.u32 $0xA00, s1  }
0x9: {  	[smem:$0x7FF] =	sst s2;
	s5 =	sand.u32 $0x1, s3;
	s8 =	smul.u32 $0x14000, s1  }
0xa: {  	s3 =	sadd.s32 $0x2B6600, s4;
	s7 =	smul.u32 $0x500, s5;
	s9 =	ssub.s32 $0x2, s5  }
0xb: {  	_ =	strace $0x80000050;
	s5 =	smul.u32 $0xA000, s5;
	s31 =	sshrl.u32 s9, $0x1  }
0xc: {  	s8 =	sadd.s32 s8, s4;
	s6 =	sadd.s32 s7, s6;
	s7 =	ssub.s32 s9, s31  }
0xd: {  	v2 =	vlaneseq.u32;
	s5 =	sadd.s32 s5, s8;
	s8 =	simm.s32 $0x80;
	s6 =	sshrl.u32 s6, $0x3  }
0xe: {  	vm0 =	vmmov $0xffff;
	v1 =	vshrl.u32 v2, $0x3;
	s9 =	simm.s32 $0x880;
	s5 =	sadd.s32 $0x407A00, s5;
	s6 =	sadd.s32 s6, s4  }
0xf: {  	v0 =	vand.u32 $0x7, v2;
	v2 =	vor.u32 $0x8, v2;
	v1 =	vmul.u32 $0x8, v1;
	s4 =	smax.u32 s7, $0x1;
	s7 =	simm.s32 $0x2;
	s6 =	sadd.s32 $0x406600, s6  }
.LBB2_1:
0x10: {  	s26 =	smov.u32 s5;
	s28 =	simm.s32 $0x0  }
.LBB2_2:
0x11: {  	s29 =	sadd.s32 s28, s6  }
0x12: {  	[tilespmem:s2], [sflag:$0x2] =	stream.linear.gather [hbm4b:s29+s2], $0x80, $0x38;
	[tilespmem:$0x8080] =	vst v63  }
0x13: {  	_ =	swait.ge [sflag:s7], $0x80  }
0x14: {  	[sflag:s7] =	ssyncset.done $0x0  }
0x15: {  	[sflag:s7] =	ssyncadd.s32 $0xFFFFFF80  }
0x16: {  	v3 =	vld [tilespmem:$0x0];
	_ =	sdelay $0x4  }
0x17: {  	v4 =	vshll.u32 v3, $0x1  }
0x18: {  	v3 =	vand.u32 $0x7, v3;
	v4 =	vand.u32 $0xFFFFFFF0, v4  }
0x19: {  	v3 =	vor.u32 v3, v4  }
0x1a: {  	v4 =	vperm.xlane v3, v0;
	_ =	sdelay $0x1  }
0x1b: {  	v3 =	vperm.xlane v3, v2;
	v4 =	vadd.s32 v1, v4;
	_ =	sdelay $0x1  }
0x1c: {  	v3 =	vadd.s32 v1, v3;
	_ =	sdelay $0x2  }
0x1d: {  	[tilespmem:s8], [sflag:$0x1] =	stream.indirect_vreg.gather [hbm4b:s3+s2], $0x80, v4, vm0, $0xb8;
	[tilespmem:$0x8080] =	vst v63  }
0x1e: {  	_ = 	snop  }
0x1f: {  	[tilespmem:s9], [sflag:$0x1] =	stream.indirect_vreg.gather [hbm4b:s3+s2], $0x80, v3, vm0, $0xb8;
	[tilespmem:$0x8080] =	vst v63  }
0x20: {  	v3 =	vld [tilespmem:$0x10];
	_ =	sdelay $0x4  }
0x21: {  	v57 =	vshll.u32 v3, $0x1  }
0x22: {  	v3 =	vand.u32 $0x7, v3;
	v4 =	vand.u32 $0xFFFFFFF0, v57  }
0x23: {  	v3 =	vor.u32 v3, v4  }
0x24: {  	v4 =	vperm.xlane v3, v0;
	_ =	sdelay $0x1  }
0x25: {  	v3 =	vperm.xlane v3, v2;
	v4 =	vadd.s32 v1, v4;
	_ =	sdelay $0x1  }
0x26: {  	v3 =	vadd.s32 v1, v3;
	_ =	sdelay $0x2  }
0x27: {  	[tilespmem:s10], [sflag:$0x1] =	stream.indirect_vreg.gather [hbm4b:s3+s2], $0x80, v4, vm0, $0xb8;
	[tilespmem:$0x8080] =	vst v63  }
0x28: {  	_ = 	snop  }
0x29: {  	[tilespmem:s11], [sflag:$0x1] =	stream.indirect_vreg.gather [hbm4b:s3+s2], $0x80, v3, vm0, $0xb8;
	[tilespmem:$0x8080] =	vst v63  }
0x2a: {  	v3 =	vld [tilespmem:$0x20];
	_ =	sdelay $0x4  }
0x2b: {  	v58 =	vshll.u32 v3, $0x1  }
0x2c: {  	v3 =	vand.u32 $0x7, v3;
	v4 =	vand.u32 $0xFFFFFFF0, v58  }
0x2d: {  	v3 =	vor.u32 v3, v4  }
0x2e: {  	v4 =	vperm.xlane v3, v0;
	_ =	sdelay $0x1  }
0x2f: {  	v3 =	vperm.xlane v3, v2;
	v4 =	vadd.s32 v1, v4;
	_ =	sdelay $0x1  }
0x30: {  	v3 =	vadd.s32 v1, v3;
	_ =	sdelay $0x2  }
0x31: {  	[tilespmem:s12], [sflag:$0x1] =	stream.indirect_vreg.gather [hbm4b:s3+s2], $0x80, v4, vm0, $0xb8;
	[tilespmem:$0x8080] =	vst v63  }
0x32: {  	_ = 	snop  }
0x33: {  	[tilespmem:s13], [sflag:$0x1] =	stream.indirect_vreg.gather [hbm4b:s3+s2], $0x80, v3, vm0, $0xb8;
	[tilespmem:$0x8080] =	vst v63  }
0x34: {  	v3 =	vld [tilespmem:$0x30];
	_ =	sdelay $0x4  }
0x35: {  	v59 =	vshll.u32 v3, $0x1  }
0x36: {  	v3 =	vand.u32 $0x7, v3;
	v4 =	vand.u32 $0xFFFFFFF0, v59  }
0x37: {  	v3 =	vor.u32 v3, v4  }
0x38: {  	v4 =	vperm.xlane v3, v0;
	_ =	sdelay $0x1  }
0x39: {  	v3 =	vperm.xlane v3, v2;
	v4 =	vadd.s32 v1, v4;
	_ =	sdelay $0x1  }
0x3a: {  	v3 =	vadd.s32 v1, v3;
	_ =	sdelay $0x2  }
0x3b: {  	[tilespmem:s14], [sflag:$0x1] =	stream.indirect_vreg.gather [hbm4b:s3+s2], $0x80, v4, vm0, $0xb8;
	[tilespmem:$0x8080] =	vst v63  }
0x3c: {  	_ = 	snop  }
0x3d: {  	[tilespmem:s15], [sflag:$0x1] =	stream.indirect_vreg.gather [hbm4b:s3+s2], $0x80, v3, vm0, $0xb8;
	[tilespmem:$0x8080] =	vst v63  }
0x3e: {  	v3 =	vld [tilespmem:$0x40];
	_ =	sdelay $0x4  }
0x3f: {  	v60 =	vshll.u32 v3, $0x1  }
0x40: {  	v3 =	vand.u32 $0x7, v3;
	v4 =	vand.u32 $0xFFFFFFF0, v60  }
0x41: {  	v3 =	vor.u32 v3, v4  }
0x42: {  	v4 =	vperm.xlane v3, v0;
	_ =	sdelay $0x1  }
0x43: {  	v3 =	vperm.xlane v3, v2;
	v4 =	vadd.s32 v1, v4;
	_ =	sdelay $0x1  }
0x44: {  	v3 =	vadd.s32 v1, v3;
	_ =	sdelay $0x2  }
0x45: {  	[tilespmem:s16], [sflag:$0x1] =	stream.indirect_vreg.gather [hbm4b:s3+s2], $0x80, v4, vm0, $0xb8;
	[tilespmem:$0x8080] =	vst v63  }
0x46: {  	_ = 	snop  }
0x47: {  	[tilespmem:s17], [sflag:$0x1] =	stream.indirect_vreg.gather [hbm4b:s3+s2], $0x80, v3, vm0, $0xb8;
	[tilespmem:$0x8080] =	vst v63  }
0x48: {  	v3 =	vld [tilespmem:$0x50];
	_ =	sdelay $0x4  }
0x49: {  	v61 =	vshll.u32 v3, $0x1  }
0x4a: {  	v3 =	vand.u32 $0x7, v3;
	v4 =	vand.u32 $0xFFFFFFF0, v61  }
0x4b: {  	v3 =	vor.u32 v3, v4  }
0x4c: {  	v4 =	vperm.xlane v3, v0;
	_ =	sdelay $0x1  }
0x4d: {  	v3 =	vperm.xlane v3, v2;
	v4 =	vadd.s32 v1, v4;
	_ =	sdelay $0x1  }
0x4e: {  	v3 =	vadd.s32 v1, v3;
	_ =	sdelay $0x2  }
0x4f: {  	[tilespmem:s18], [sflag:$0x1] =	stream.indirect_vreg.gather [hbm4b:s3+s2], $0x80, v4, vm0, $0xb8;
	[tilespmem:$0x8080] =	vst v63  }
0x50: {  	_ = 	snop  }
0x51: {  	[tilespmem:s19], [sflag:$0x1] =	stream.indirect_vreg.gather [hbm4b:s3+s2], $0x80, v3, vm0, $0xb8;
	[tilespmem:$0x8080] =	vst v63  }
0x52: {  	v3 =	vld [tilespmem:$0x60];
	_ =	sdelay $0x4  }
0x53: {  	v62 =	vshll.u32 v3, $0x1  }
0x54: {  	v3 =	vand.u32 $0x7, v3;
	v4 =	vand.u32 $0xFFFFFFF0, v62  }
0x55: {  	v3 =	vor.u32 v3, v4  }
0x56: {  	v4 =	vperm.xlane v3, v0;
	_ =	sdelay $0x1  }
0x57: {  	v3 =	vperm.xlane v3, v2;
	v4 =	vadd.s32 v1, v4;
	_ =	sdelay $0x1  }
0x58: {  	v3 =	vadd.s32 v1, v3;
	_ =	sdelay $0x2  }
0x59: {  	[tilespmem:s20], [sflag:$0x1] =	stream.indirect_vreg.gather [hbm4b:s3+s2], $0x80, v4, vm0, $0xb8;
	[tilespmem:$0x8080] =	vst v63  }
0x5a: {  	_ = 	snop  }
0x5b: {  	[tilespmem:s21], [sflag:$0x1] =	stream.indirect_vreg.gather [hbm4b:s3+s2], $0x80, v3, vm0, $0xb8;
	[tilespmem:$0x8080] =	vst v63  }
0x5c: {  	v3 =	vld [tilespmem:$0x70];
	_ =	sdelay $0x4  }
0x5d: {  	v63 =	vshll.u32 v3, $0x1  }
0x5e: {  	v3 =	vand.u32 $0x7, v3;
	v4 =	vand.u32 $0xFFFFFFF0, v63  }
0x5f: {  	v3 =	vor.u32 v3, v4  }
0x60: {  	v4 =	vperm.xlane v3, v0;
	_ =	sdelay $0x1  }
0x61: {  	v3 =	vperm.xlane v3, v2;
	v4 =	vadd.s32 v1, v4;
	_ =	sdelay $0x1  }
0x62: {  	v3 =	vadd.s32 v1, v3;
	_ =	sdelay $0x2  }
0x63: {  	[tilespmem:s22], [sflag:$0x1] =	stream.indirect_vreg.gather [hbm4b:s3+s2], $0x80, v4, vm0, $0xb8;
	[tilespmem:$0x8080] =	vst v63  }
0x64: {  	_ = 	snop  }
0x65: {  	[tilespmem:s23], [sflag:$0x1] =	stream.indirect_vreg.gather [hbm4b:s3+s2], $0x80, v3, vm0, $0xb8;
	[tilespmem:$0x8080] =	vst v63  }
0x66: {  	_ =	swait.ge [sflag:s24], $0x8000  }
0x67: {  	p0 =	sne.s32 s28, $0x90;
	[sflag:s24] =	ssyncset.done $0x0  }
.Ltmp0:
0x68: {  	[sflag:s24] =	ssyncadd.s32 $0xFFFF8000;
	(pc) =	sbr.rel @p0 .LBB2_2-.Ltmp0, $4  }
0x69: {  	[hbm4b:s26+s2] =	stream.linear.scatter [tilespmem:s8], [sflag:$0x2], $0x8000, $0x38;
	[tilespmem:$0x8080] =	vst v63  }
0x6a: {  	_ =	swait.ge [sflag:s7], $0x8000  }
0x6b: {  	[sflag:s7] =	ssyncset.done $0x0  }
0x6c: {  	s28 =	sadd.s32 $0x10, s28;
	s26 =	sadd.s32 $0x1000, s26;
	[sflag:s7] =	ssyncadd.s32 $0xFFFF8000  }
0x6d: {  	s25 =	sadd.s32 $0x1, s25  }
0x6e: {  	p0 =	sne.s32 s25, s4  }
.Ltmp1:
0x6f: {  	_ = 	snop;
	(pc) =	sbr.rel @p0 .LBB2_1-.Ltmp1, $1  }
0x70: {  	_ =	sdelay $0x3  }
0x71: {  	_ =	sfence.sel $0x180000  }
0x72: {  	[bflag:$0x0] =	sbarrier.arrive $0xFFFF  }
0x73: {  	p0 =	sne.s32 s1, $0x0;
	_ =	strace $0x90000050  }
0x74: {  	s0 =	sadd.s32 @!p0 $0x100000, s0;
	[bflag:$0x2] =	sbarrier.arrive $0xFFFF  }
0x75: {  	[sflag:s0] =	ssyncadd.tile.s32 @!p0 $0x1;
	_ =	shalt  }
.Lfunc_end2:
_tile_overlayer_lowered:
.L_overlay_start_2:
0x76: {  	(tag) =	ssettag $0x2  }
0x77: {  	s0 =	rddreg [dreg:$0x0];
	s2 =	stileid.u32  }
0x78: {  	s1 =	rddreg [dreg:$0x1];
	p0 =	sne.s32 s2, $0x0  }
0x79: {  	s3 =	rddreg [dreg:$0x2];
	[bflag:$0x3] =	sbarrier.arrive $0xFFFF;
	s2 =	simm.s32 @!p0 $0x1C02  }
0x7a: {  	[timem:s3], [sflag:s2] =	dma.local @!p0 [hbm:s0], s1  }
0x7b: {  	s0 =	simm.s32 @!p0 $0x2  }
0x7c: {  	_ =	swait.ge @!p0 [sflag:s0], s1  }
0x7d: {  	s1 =	ssub.s32 @!p0 $0x0, s1;
	[sflag:s0] =	ssyncset.done @!p0 $0x0  }
0x7e: {  	[sflag:s0] =	ssyncadd.s32 @!p0 s1  }
0x7f: {  	[bflag:$0x3] =	sbarrier.arrive $0xFFFF  }
0x80: {  	_ =	shalt  }

// kernel: kernel.21.cloned.1.call-start
scs
__scs_entry_jumppad:
0x0: {  	(pc) =	sbr.rel $0x88, $3  }
0x1: {  	(tag) =	ssettag $0x0;
	lr =	simm.s32 $0x1  }
0x2: {  	[smem:$0x3F94] =	sst lr;
	_ =	strace $0xD0000000  }
0x3: {  	_ = 	snop  }
0x4: {  	_ = 	snop  }
0x5: {  	_ = 	snop  }
0x6: {  	_ = 	snop  }
0x7: {  	_ = 	snop  }
__scs_overlays_trampoline_lowered:
0x8: {  	[smem:$0x3FA3] =	sst s0  }
0x9: {  	[smem:$0x3FA4] =	sst s1  }
0xa: {  	[smem:$0x3FA5] =	sst s2  }
0xb: {  	[smem:$0x3FA6] =	sst s3  }
0xc: {  	[smem:$0x3FA7] =	sst s4  }
0xd: {  	[smem:$0x3FA8] =	sst s5  }
0xe: {  	[smem:$0x3FA9] =	sst s6  }
0xf: {  	[smem:$0x3FAA] =	sst s7  }
0x10: {  	[smem:$0x3FAB] =	sst s8  }
0x11: {  	[smem:$0x3FAC] =	sst s9;
	s0 =	simm.s32 @!p0 $0x0  }
0x12: {  	s1 =	sld [smem:$0x3F92];
	s0 =	simm.s32 @p0 $0x1  }
0x13: {  	[smem:$0x3FAD] =	sst s0;
	s0 =	simm.s32 @!p1 $0x0  }
0x14: {  	s2 =	sld [smem:$0x3F91];
	s0 =	simm.s32 @p1 $0x1  }
0x15: {  	[smem:$0x3FAE] =	sst s0;
	s0 =	simm.s32 @!p2 $0x0  }
0x16: {  	s3 =	sld [smem:$0x3FDB];
	s0 =	simm.s32 @p2 $0x1  }
0x17: {  	s4 =	simm.s32 $0x1BF5;
	[smem:$0x3FB0] =	sst s0  }
0x18: {  	s0 =	sld [smem:$0x3F93];
	_ =	swait.ge [sflag:s4], $0x0  }
0x19: {  	s7 =	sld [smem:$0x3F94]  }
0x1a: {  	s8 =	sadd.s32 $0xFFFFE003, lr  }
0x1b: {  	s9 =	sadd.s32 $0xFFFFFEF7, lr;
	s5 =	simm.s32 $0xFFFFFFFF;
	p2 =	slt.u32 s8, $0xFFFFF086  }
0x1c: {  	p1 =	slt.u32 s9, $0xF7A;
	s5 =	simm.s32 @!p2 $0x0  }
0x1d: {  	s5 =	simm.s32 @p1 $0x1;
	p0 =	seq.s32 s7, s2  }
0x1e: {  	s7 =	smul.u32 @!p0 $0xF7A, s2;
	p2 =	seq.s32 @!p0 s5, $0x0  }
0x1f: {  	s9 =	smul.u32 $0xF7A, s1;
	s8 =	simm.s32 @!p0 $0x1BF5;
	p2 =	por !p2, p0  }
0x20: {  	[sflag:s8] =	ssyncset.s32 @!p0 $0xFFFFF086;
	s6 =	sadd.s32 @!p0 s3, s7;
	s7 =	simm.s32 @!p0 $0x108  }
0x21: {  	s3 =	sadd.s32 s3, s9;
	s6 =	sadd.s32 @!p0 $0x88, s6;
	s7 =	simm.s32 @p2 $0x1082  }
0x22: {  	[simem:s7], [sflag:s8] =	dma.local @!p0 [hbm:s6], $0xF7A  }
0x23: {  	s9 =	sor.u32 $0xD0000000, s2;
	s6 =	simm.s32 $0x108;
	_ =	swait.ge @!p0 [sflag:s8], $0x0  }
0x24: {  	s3 =	sadd.s32 $0x88, s3;
	s6 =	simm.s32 @!p1 $0x1082;
	[sflag:s4] =	ssyncset.s32 $0xFFFFF086  }
0x25: {  	[simem:s6], [sflag:s4] =	dma.local [hbm:s3], $0xF7A  }
0x26: {  	[smem:$0x3F94] =	sst s1;
	(tag) =	ssettag s2;
	_ =	strace s9  }
0x27: {  	s1 =	sld [smem:$0x3FA4]  }
0x28: {  	s2 =	sld [smem:$0x3FA5]  }
0x29: {  	s4 =	sld [smem:$0x3FA7]  }
0x2a: {  	p0 =	seq.s32 s5, $0x0;
	s5 =	sld [smem:$0x3FA8]  }
0x2b: {  	s6 =	sld [smem:$0x3FA9]  }
0x2c: {  	s7 =	sld [smem:$0x3FAA]  }
0x2d: {  	s3 =	simm.s32 $0x108;
	s8 =	sld [smem:$0x3FAB]  }
0x2e: {  	s3 =	simm.s32 @!p0 $0x1082;
	s9 =	sld [smem:$0x3FAC]  }
0x2f: {  	lr =	sadd.s32 s0, s3;
	s0 =	sld [smem:$0x3FA3]  }
0x30: {  	s3 =	sld [smem:$0x3FA6]  }
0x31: {  	[smem:$0x3FAF] =	sst s10  }
0x32: {  	s10 =	sld [smem:$0x3FAD];
	_ =	sdelay $0x3  }
0x33: {  	p0 =	seq.s32 s10, $0x1;
	s10 =	sld [smem:$0x3FAF];
	_ =	sdelay $0x3  }
0x34: {  	[smem:$0x3FAF] =	sst s10  }
0x35: {  	s10 =	sld [smem:$0x3FAE];
	_ =	sdelay $0x3  }
0x36: {  	p1 =	seq.s32 s10, $0x1;
	s10 =	sld [smem:$0x3FAF];
	_ =	sdelay $0x3  }
0x37: {  	[smem:$0x3FAF] =	sst s10  }
0x38: {  	s10 =	sld [smem:$0x3FB0]  }
0x39: {  	_ = 	snop;
	(pc) =	sbr.ind lr, $3  }
0x3a: {  	_ = 	snop  }
0x3b: {  	_ = 	snop  }
0x3c: {  	p2 =	seq.s32 s10, $0x1;
	s10 =	sld [smem:$0x3FAF]  }
0x3d: {  	_ =	shalt  }
0x3e: {  	_ =	shalt  }
0x3f: {  	_ =	shalt  }
0x40: {  	_ =	shalt  }
0x41: {  	_ =	shalt  }
0x42: {  	_ =	shalt  }
0x43: {  	_ =	shalt  }
0x44: {  	_ =	shalt  }
0x45: {  	_ =	shalt  }
0x46: {  	_ =	shalt  }
0x47: {  	_ =	shalt  }
0x48: {  	_ =	shalt  }
0x49: {  	_ =	shalt  }
0x4a: {  	_ =	shalt  }
0x4b: {  	_ =	shalt  }
0x4c: {  	_ =	shalt  }
0x4d: {  	_ =	shalt  }
0x4e: {  	_ =	shalt  }
0x4f: {  	_ =	shalt  }
0x50: {  	_ =	shalt  }
0x51: {  	_ =	shalt  }
0x52: {  	_ =	shalt  }
0x53: {  	_ =	shalt  }
0x54: {  	_ =	shalt  }
0x55: {  	_ =	shalt  }
0x56: {  	_ =	shalt  }
0x57: {  	_ =	shalt  }
0x58: {  	_ =	shalt  }
0x59: {  	_ =	shalt  }
0x5a: {  	_ =	shalt  }
0x5b: {  	_ =	shalt  }
0x5c: {  	_ =	shalt  }
0x5d: {  	_ =	shalt  }
0x5e: {  	_ =	shalt  }
0x5f: {  	_ =	shalt  }
0x60: {  	_ =	shalt  }
0x61: {  	_ =	shalt  }
0x62: {  	_ =	shalt  }
0x63: {  	_ =	shalt  }
0x64: {  	_ =	shalt  }
0x65: {  	_ =	shalt  }
0x66: {  	_ =	shalt  }
0x67: {  	_ =	shalt  }
0x68: {  	_ =	shalt  }
0x69: {  	_ =	shalt  }
0x6a: {  	_ =	shalt  }
0x6b: {  	_ =	shalt  }
0x6c: {  	_ =	shalt  }
0x6d: {  	_ =	shalt  }
0x6e: {  	_ =	shalt  }
0x6f: {  	_ =	shalt  }
0x70: {  	_ =	shalt  }
0x71: {  	_ =	shalt  }
0x72: {  	_ =	shalt  }
0x73: {  	_ =	shalt  }
0x74: {  	_ =	shalt  }
0x75: {  	_ =	shalt  }
0x76: {  	_ =	shalt  }
0x77: {  	_ =	shalt  }
0x78: {  	_ =	shalt  }
0x79: {  	_ =	shalt  }
0x7a: {  	_ =	shalt  }
0x7b: {  	_ =	shalt  }
0x7c: {  	_ =	shalt  }
0x7d: {  	_ =	shalt  }
0x7e: {  	_ =	shalt  }
0x7f: {  	_ =	shalt  }
0x80: {  	_ =	shalt  }
0x81: {  	_ =	shalt  }
0x82: {  	_ =	shalt  }
0x83: {  	_ =	shalt  }
0x84: {  	_ =	shalt  }
0x85: {  	_ =	shalt  }
0x86: {  	_ =	shalt  }
0x87: {  	_ =	shalt  }
.Lfunc_end0:
.L_simem_size_0:
called_computation.2_lowered:
.L_overlay_start_0:
0x88: {  	s2 =	sld [smem:$0x3FD9]  }
0x89: {  	s3 =	sld [smem:$0x3FFE];
	_ =	sdelay $0x1  }
0x8a: {  	s1 =	srdreg.scid  }
0x8b: {  	s0 =	sand.u32 $0x1, s1  }
0x8c: {  	s16 =	sshll.u32 s0, $0xA;
	s2 =	sadd.s32 s3, s2  }
0x8d: {  	s2 =	sadd.s32 s2, s16  }
0x8e: {  	[smem:$0x3FBB] =	sst s2  }
0x8f: {  	_ = 	snop  }
0x90: {  	(tm) =	ssettm $0x1  }
0x91: {  	s17 =	sld [smem:$0x3FFB];
	_ =	sdelay $0x3  }
0x92: {  	_ =	strace s17  }
0x93: {  	s2 =	sld [smem:$0x3FFC];
	_ =	sdelay $0x3  }
0x94: {  	_ =	strace s2  }
0x95: {  	s2 =	sld [smem:$0x3FFD];
	_ =	sdelay $0x3  }
0x96: {  	_ =	strace s2  }
0x97: {  	_ =	strace $0x8FFFFFFF  }
0x98: {  	s18 =	sld [smem:$0x3FDB];
	_ =	sdelay $0x1  }
0x99: {  	s19 =	simm.s32 $_scs_section_size  }
0x9a: {  	s4 =	simm.s32 $_size__tile_overlayer_lowered;
	s5 =	simm.s32 $_tile_overlayer_lowered  }
0x9b: {  	s22 =	simm.s32 $0x1BFF;
	s21 =	sshll.u32 s5, $0x1;
	s2 =	sadd.s32 s19, s18  }
0x9c: {  	s6 =	simm.s32 $0x0;
	s20 =	sshll.u32 s4, $0x1;
	s4 =	sadd.s32 s21, s2  }
0x9d: {  	[timem:s6], [sflag:s22] =	dma.local [hbm:s4], s20  }
0x9e: {  	_ =	swait.ge [sflag:s22], s20  }
0x9f: {  	s3 =	ssub.s32 $0x0, s20;
	[sflag:s22] =	ssyncset.done $0x0  }
0xa0: {  	[sflag:s22] =	ssyncadd.s32 s3;
	_ =	sdelay $0x1  }
0xa1: {  	s23 =	simm.s32 $0x1B8B  }
0xa2: {  	_ =	swait.ge [sflag:s23], $0x1  }
0xa3: {  	[sflag:s23] =	ssyncset.done $0x0  }
0xa4: {  	s25 =	simm.s32 $0x1B8E;
	s24 =	sld [smem:$0x3FFE];
	[sflag:s23] =	ssyncadd.s32 $0xFFFFFFFF  }
0xa5: {  	s26 =	simm.s32 $execute0_lowered;
	[smem:$0x3FD2] =	sst s25  }
0xa6: {  	s4 =	sshll.u32 s26, $0x1;
	_ =	strace $0x80000046;
	[dreg:$0x1] =	wrdreg $0xFFFFFFFF  }
0xa7: {  	s28 =	simm.s32 $_size_execute0_lowered;
	s2 =	sadd.s32 s2, s4;
	[dreg:$0x0] =	wrdreg $0x0  }
0xa8: {  	s4 =	sshll.u32 s28, $0x1;
	[dreg:$0x2] =	wrdreg s2  }
0xa9: {  	[dreg:$0x3] =	wrdreg s4  }
0xaa: {  	[dreg:$0x4] =	wrdreg $0xC0  }
0xab: {  	_ =	task [dreg:s6], $0x5FFFF  }
0xac: {  	[dreg:$0x1] =	wrdreg $0xFFFFFFFF  }
0xad: {  	[dreg:$0x0] =	wrdreg $0x60  }
0xae: {  	[dreg:$0x2] =	wrdreg s24  }
0xaf: {  	[dreg:$0x3] =	wrdreg $0xB  }
0xb0: {  	_ =	task.clear_ibuf [dreg:s6], $0x4FFFF;
	_ =	strace $0x90000046  }
0xb1: {  	s29 =	simm.s32 $0xB;
	_ =	strace $0x80000048  }
0xb2: {  	_ =	swait.ge [sflag:s29], $0x1  }
0xb3: {  	[sflag:s29] =	ssyncadd.s32 $0xFFFFFFFF  }
0xb4: {  	_ =	strace $0x90000048  }
0xb5: {  	_ =	sfence  }
0xb6: {  	s30 =	sld [smem:$0x0];
	_ =	sdelay $0x2  }
0xb7: {  	s31 =	sshll.u32 s1, $0xD;
	s1 =	sshrl.u32 s1, $0x2  }
0xb8: {  	s3 =	sand.u32 $0x4000, s31;
	s1 =	sadd.s32 s1, s30  }
0xb9: {  	s0 =	sor.u32 s3, s0;
	s1 =	sshll.u32 s1, $0x11  }
0xba: {  	s0 =	sor.u32 s1, s0  }
0xbb: {  	s0 =	sadd.s32 $0x8F2B, s0  }
0xbc: {  	[sflag:s0] =	ssyncadd.remote.s32 $0x1  }
0xbd: {  	_ =	sfence.sel $0xFFFF  }
0xbe: {  	[dreg:$0x0] =	wrdreg $0xFFFFFFFF;
	(pc) =	sbr.abs _section_cstart, $3  }
0xbf: {  	[dreg:$0x1] =	wrdreg $0xFFFFFFFF  }
0xc0: {  	_ =	task.clear_ibuf [dreg:s6], $0x2FFFF;
	_ =	strace $0x9FFFFFFF  }
0xc1: {  	(tm) =	ssettm $0x7FFFFFFF  }
tec
execute0_lowered:
.L_overlay_start_1:
0x0: {  	(tag) =	ssettag $0x1  }
0x1: {  	s4 =	rddreg [dreg:$0x0]  }
0x2: {  	s0 =	rddreg [dreg:$0x1];
	s2 =	simm.s32 $0x0;
	s3 =	srdreg.scid  }
0x3: {  	s1 =	stileid.u32;
	s10 =	simm.s32 $0x1080;
	s11 =	simm.s32 $0x1880  }
0x4: {  	s12 =	simm.s32 $0x2080;
	s13 =	simm.s32 $0x2880;
	s14 =	simm.s32 $0x3080  }
0x5: {  	s15 =	simm.s32 $0x3880;
	s16 =	simm.s32 $0x4080;
	s17 =	simm.s32 $0x4880  }
0x6: {  	s18 =	simm.s32 $0x5080;
	s19 =	simm.s32 $0x5880;
	s20 =	simm.s32 $0x6080  }
0x7: {  	s21 =	simm.s32 $0x6880;
	s22 =	simm.s32 $0x7080;
	s23 =	simm.s32 $0x7880  }
0x8: {  	s24 =	simm.s32 $0x1;
	s25 =	simm.s32 $0x0;
	s6 =	smul.u32 $0xA00, s1  }
0x9: {  	[smem:$0x7FF] =	sst s2;
	s5 =	sand.u32 $0x1, s3;
	s8 =	smul.u32 $0x14000, s1  }
0xa: {  	s3 =	sadd.s32 $0x5200, s4;
	s7 =	smul.u32 $0x500, s5;
	s9 =	ssub.s32 $0x2, s5  }
0xb: {  	_ =	strace $0x80000047;
	s5 =	smul.u32 $0xA000, s5;
	s31 =	sshrl.u32 s9, $0x1  }
0xc: {  	s8 =	sadd.s32 s8, s4;
	s6 =	sadd.s32 s7, s6;
	s7 =	ssub.s32 s9, s31  }
0xd: {  	v2 =	vlaneseq.u32;
	s5 =	sadd.s32 s5, s8;
	s8 =	simm.s32 $0x80;
	s6 =	sshrl.u32 s6, $0x3  }
0xe: {  	vm0 =	vmmov $0xffff;
	v1 =	vshrl.u32 v2, $0x3;
	s9 =	simm.s32 $0x880;
	s5 =	sadd.s32 $0x35200, s5;
	s6 =	sadd.s32 s6, s4  }
0xf: {  	v0 =	vand.u32 $0x7, v2;
	v2 =	vor.u32 $0x8, v2;
	v1 =	vmul.u32 $0x8, v1;
	s4 =	smax.u32 s7, $0x1;
	s7 =	simm.s32 $0x2;
	s6 =	sadd.s32 $0x3E00, s6  }
.LBB2_1:
0x10: {  	s26 =	smov.u32 s5;
	s28 =	simm.s32 $0x0  }
.LBB2_2:
0x11: {  	s29 =	sadd.s32 s28, s6  }
0x12: {  	[tilespmem:s2], [sflag:$0x2] =	stream.linear.gather [hbm4b:s29+s2], $0x80, $0x38;
	[tilespmem:$0x8080] =	vst v63  }
0x13: {  	_ =	swait.ge [sflag:s7], $0x80  }
0x14: {  	[sflag:s7] =	ssyncset.done $0x0  }
0x15: {  	[sflag:s7] =	ssyncadd.s32 $0xFFFFFF80  }
0x16: {  	v3 =	vld [tilespmem:$0x0];
	_ =	sdelay $0x4  }
0x17: {  	v4 =	vshll.u32 v3, $0x1  }
0x18: {  	v3 =	vand.u32 $0x7, v3;
	v4 =	vand.u32 $0xFFFFFFF0, v4  }
0x19: {  	v3 =	vor.u32 v3, v4  }
0x1a: {  	v4 =	vperm.xlane v3, v0;
	_ =	sdelay $0x1  }
0x1b: {  	v3 =	vperm.xlane v3, v2;
	v4 =	vadd.s32 v1, v4;
	_ =	sdelay $0x1  }
0x1c: {  	v3 =	vadd.s32 v1, v3;
	_ =	sdelay $0x2  }
0x1d: {  	[tilespmem:s8], [sflag:$0x1] =	stream.indirect_vreg.gather [hbm4b:s3+s2], $0x80, v4, vm0, $0xb8;
	[tilespmem:$0x8080] =	vst v63  }
0x1e: {  	_ = 	snop  }
0x1f: {  	[tilespmem:s9], [sflag:$0x1] =	stream.indirect_vreg.gather [hbm4b:s3+s2], $0x80, v3, vm0, $0xb8;
	[tilespmem:$0x8080] =	vst v63  }
0x20: {  	v3 =	vld [tilespmem:$0x10];
	_ =	sdelay $0x4  }
0x21: {  	v57 =	vshll.u32 v3, $0x1  }
0x22: {  	v3 =	vand.u32 $0x7, v3;
	v4 =	vand.u32 $0xFFFFFFF0, v57  }
0x23: {  	v3 =	vor.u32 v3, v4  }
0x24: {  	v4 =	vperm.xlane v3, v0;
	_ =	sdelay $0x1  }
0x25: {  	v3 =	vperm.xlane v3, v2;
	v4 =	vadd.s32 v1, v4;
	_ =	sdelay $0x1  }
0x26: {  	v3 =	vadd.s32 v1, v3;
	_ =	sdelay $0x2  }
0x27: {  	[tilespmem:s10], [sflag:$0x1] =	stream.indirect_vreg.gather [hbm4b:s3+s2], $0x80, v4, vm0, $0xb8;
	[tilespmem:$0x8080] =	vst v63  }
0x28: {  	_ = 	snop  }
0x29: {  	[tilespmem:s11], [sflag:$0x1] =	stream.indirect_vreg.gather [hbm4b:s3+s2], $0x80, v3, vm0, $0xb8;
	[tilespmem:$0x8080] =	vst v63  }
0x2a: {  	v3 =	vld [tilespmem:$0x20];
	_ =	sdelay $0x4  }
0x2b: {  	v58 =	vshll.u32 v3, $0x1  }
0x2c: {  	v3 =	vand.u32 $0x7, v3;
	v4 =	vand.u32 $0xFFFFFFF0, v58  }
0x2d: {  	v3 =	vor.u32 v3, v4  }
0x2e: {  	v4 =	vperm.xlane v3, v0;
	_ =	sdelay $0x1  }
0x2f: {  	v3 =	vperm.xlane v3, v2;
	v4 =	vadd.s32 v1, v4;
	_ =	sdelay $0x1  }
0x30: {  	v3 =	vadd.s32 v1, v3;
	_ =	sdelay $0x2  }
0x31: {  	[tilespmem:s12], [sflag:$0x1] =	stream.indirect_vreg.gather [hbm4b:s3+s2], $0x80, v4, vm0, $0xb8;
	[tilespmem:$0x8080] =	vst v63  }
0x32: {  	_ = 	snop  }
0x33: {  	[tilespmem:s13], [sflag:$0x1] =	stream.indirect_vreg.gather [hbm4b:s3+s2], $0x80, v3, vm0, $0xb8;
	[tilespmem:$0x8080] =	vst v63  }
0x34: {  	v3 =	vld [tilespmem:$0x30];
	_ =	sdelay $0x4  }
0x35: {  	v59 =	vshll.u32 v3, $0x1  }
0x36: {  	v3 =	vand.u32 $0x7, v3;
	v4 =	vand.u32 $0xFFFFFFF0, v59  }
0x37: {  	v3 =	vor.u32 v3, v4  }
0x38: {  	v4 =	vperm.xlane v3, v0;
	_ =	sdelay $0x1  }
0x39: {  	v3 =	vperm.xlane v3, v2;
	v4 =	vadd.s32 v1, v4;
	_ =	sdelay $0x1  }
0x3a: {  	v3 =	vadd.s32 v1, v3;
	_ =	sdelay $0x2  }
0x3b: {  	[tilespmem:s14], [sflag:$0x1] =	stream.indirect_vreg.gather [hbm4b:s3+s2], $0x80, v4, vm0, $0xb8;
	[tilespmem:$0x8080] =	vst v63  }
0x3c: {  	_ = 	snop  }
0x3d: {  	[tilespmem:s15], [sflag:$0x1] =	stream.indirect_vreg.gather [hbm4b:s3+s2], $0x80, v3, vm0, $0xb8;
	[tilespmem:$0x8080] =	vst v63  }
0x3e: {  	v3 =	vld [tilespmem:$0x40];
	_ =	sdelay $0x4  }
0x3f: {  	v60 =	vshll.u32 v3, $0x1  }
0x40: {  	v3 =	vand.u32 $0x7, v3;
	v4 =	vand.u32 $0xFFFFFFF0, v60  }
0x41: {  	v3 =	vor.u32 v3, v4  }
0x42: {  	v4 =	vperm.xlane v3, v0;
	_ =	sdelay $0x1  }
0x43: {  	v3 =	vperm.xlane v3, v2;
	v4 =	vadd.s32 v1, v4;
	_ =	sdelay $0x1  }
0x44: {  	v3 =	vadd.s32 v1, v3;
	_ =	sdelay $0x2  }
0x45: {  	[tilespmem:s16], [sflag:$0x1] =	stream.indirect_vreg.gather [hbm4b:s3+s2], $0x80, v4, vm0, $0xb8;
	[tilespmem:$0x8080] =	vst v63  }
0x46: {  	_ = 	snop  }
0x47: {  	[tilespmem:s17], [sflag:$0x1] =	stream.indirect_vreg.gather [hbm4b:s3+s2], $0x80, v3, vm0, $0xb8;
	[tilespmem:$0x8080] =	vst v63  }
0x48: {  	v3 =	vld [tilespmem:$0x50];
	_ =	sdelay $0x4  }
0x49: {  	v61 =	vshll.u32 v3, $0x1  }
0x4a: {  	v3 =	vand.u32 $0x7, v3;
	v4 =	vand.u32 $0xFFFFFFF0, v61  }
0x4b: {  	v3 =	vor.u32 v3, v4  }
0x4c: {  	v4 =	vperm.xlane v3, v0;
	_ =	sdelay $0x1  }
0x4d: {  	v3 =	vperm.xlane v3, v2;
	v4 =	vadd.s32 v1, v4;
	_ =	sdelay $0x1  }
0x4e: {  	v3 =	vadd.s32 v1, v3;
	_ =	sdelay $0x2  }
0x4f: {  	[tilespmem:s18], [sflag:$0x1] =	stream.indirect_vreg.gather [hbm4b:s3+s2], $0x80, v4, vm0, $0xb8;
	[tilespmem:$0x8080] =	vst v63  }
0x50: {  	_ = 	snop  }
0x51: {  	[tilespmem:s19], [sflag:$0x1] =	stream.indirect_vreg.gather [hbm4b:s3+s2], $0x80, v3, vm0, $0xb8;
	[tilespmem:$0x8080] =	vst v63  }
0x52: {  	v3 =	vld [tilespmem:$0x60];
	_ =	sdelay $0x4  }
0x53: {  	v62 =	vshll.u32 v3, $0x1  }
0x54: {  	v3 =	vand.u32 $0x7, v3;
	v4 =	vand.u32 $0xFFFFFFF0, v62  }
0x55: {  	v3 =	vor.u32 v3, v4  }
0x56: {  	v4 =	vperm.xlane v3, v0;
	_ =	sdelay $0x1  }
0x57: {  	v3 =	vperm.xlane v3, v2;
	v4 =	vadd.s32 v1, v4;
	_ =	sdelay $0x1  }
0x58: {  	v3 =	vadd.s32 v1, v3;
	_ =	sdelay $0x2  }
0x59: {  	[tilespmem:s20], [sflag:$0x1] =	stream.indirect_vreg.gather [hbm4b:s3+s2], $0x80, v4, vm0, $0xb8;
	[tilespmem:$0x8080] =	vst v63  }
0x5a: {  	_ = 	snop  }
0x5b: {  	[tilespmem:s21], [sflag:$0x1] =	stream.indirect_vreg.gather [hbm4b:s3+s2], $0x80, v3, vm0, $0xb8;
	[tilespmem:$0x8080] =	vst v63  }
0x5c: {  	v3 =	vld [tilespmem:$0x70];
	_ =	sdelay $0x4  }
0x5d: {  	v63 =	vshll.u32 v3, $0x1  }
0x5e: {  	v3 =	vand.u32 $0x7, v3;
	v4 =	vand.u32 $0xFFFFFFF0, v63  }
0x5f: {  	v3 =	vor.u32 v3, v4  }
0x60: {  	v4 =	vperm.xlane v3, v0;
	_ =	sdelay $0x1  }
0x61: {  	v3 =	vperm.xlane v3, v2;
	v4 =	vadd.s32 v1, v4;
	_ =	sdelay $0x1  }
0x62: {  	v3 =	vadd.s32 v1, v3;
	_ =	sdelay $0x2  }
0x63: {  	[tilespmem:s22], [sflag:$0x1] =	stream.indirect_vreg.gather [hbm4b:s3+s2], $0x80, v4, vm0, $0xb8;
	[tilespmem:$0x8080] =	vst v63  }
0x64: {  	_ = 	snop  }
0x65: {  	[tilespmem:s23], [sflag:$0x1] =	stream.indirect_vreg.gather [hbm4b:s3+s2], $0x80, v3, vm0, $0xb8;
	[tilespmem:$0x8080] =	vst v63  }
0x66: {  	_ =	swait.ge [sflag:s24], $0x8000  }
0x67: {  	p0 =	sne.s32 s28, $0x90;
	[sflag:s24] =	ssyncset.done $0x0  }
.Ltmp0:
0x68: {  	[sflag:s24] =	ssyncadd.s32 $0xFFFF8000;
	(pc) =	sbr.rel @p0 .LBB2_2-.Ltmp0, $4  }
0x69: {  	[hbm4b:s26+s2] =	stream.linear.scatter [tilespmem:s8], [sflag:$0x2], $0x8000, $0x38;
	[tilespmem:$0x8080] =	vst v63  }
0x6a: {  	_ =	swait.ge [sflag:s7], $0x8000  }
0x6b: {  	[sflag:s7] =	ssyncset.done $0x0  }
0x6c: {  	s28 =	sadd.s32 $0x10, s28;
	s26 =	sadd.s32 $0x1000, s26;
	[sflag:s7] =	ssyncadd.s32 $0xFFFF8000  }
0x6d: {  	s25 =	sadd.s32 $0x1, s25  }
0x6e: {  	p0 =	sne.s32 s25, s4  }
.Ltmp1:
0x6f: {  	_ = 	snop;
	(pc) =	sbr.rel @p0 .LBB2_1-.Ltmp1, $1  }
0x70: {  	_ =	sdelay $0x3  }
0x71: {  	_ =	sfence.sel $0x180000  }
0x72: {  	[bflag:$0x0] =	sbarrier.arrive $0xFFFF  }
0x73: {  	p0 =	sne.s32 s1, $0x0;
	_ =	strace $0x90000047  }
0x74: {  	s0 =	sadd.s32 @!p0 $0x100000, s0;
	[bflag:$0x2] =	sbarrier.arrive $0xFFFF  }
0x75: {  	[sflag:s0] =	ssyncadd.tile.s32 @!p0 $0x1;
	_ =	shalt  }
.Lfunc_end2:
_tile_overlayer_lowered:
.L_overlay_start_2:
0x76: {  	(tag) =	ssettag $0x2  }
0x77: {  	s0 =	rddreg [dreg:$0x0];
	s2 =	stileid.u32  }
0x78: {  	s1 =	rddreg [dreg:$0x1];
	p0 =	sne.s32 s2, $0x0  }
0x79: {  	s3 =	rddreg [dreg:$0x2];
	[bflag:$0x3] =	sbarrier.arrive $0xFFFF;
	s2 =	simm.s32 @!p0 $0x1C02  }
0x7a: {  	[timem:s3], [sflag:s2] =	dma.local @!p0 [hbm:s0], s1  }
0x7b: {  	s0 =	simm.s32 @!p0 $0x2  }
0x7c: {  	_ =	swait.ge @!p0 [sflag:s0], s1  }
0x7d: {  	s1 =	ssub.s32 @!p0 $0x0, s1;
	[sflag:s0] =	ssyncset.done @!p0 $0x0  }
0x7e: {  	[sflag:s0] =	ssyncadd.s32 @!p0 s1  }
0x7f: {  	[bflag:$0x3] =	sbarrier.arrive $0xFFFF  }
0x80: {  	_ =	shalt  }

// kernel: kernel.24.cloned.1.call-start
scs
__scs_entry_jumppad:
0x0: {  	(pc) =	sbr.rel $0x88, $3  }
0x1: {  	(tag) =	ssettag $0x0;
	lr =	simm.s32 $0x1  }
0x2: {  	[smem:$0x3F94] =	sst lr;
	_ =	strace $0xD0000000  }
0x3: {  	_ = 	snop  }
0x4: {  	_ = 	snop  }
0x5: {  	_ = 	snop  }
0x6: {  	_ = 	snop  }
0x7: {  	_ = 	snop  }
__scs_overlays_trampoline_lowered:
0x8: {  	[smem:$0x3FA3] =	sst s0  }
0x9: {  	[smem:$0x3FA4] =	sst s1  }
0xa: {  	[smem:$0x3FA5] =	sst s2  }
0xb: {  	[smem:$0x3FA6] =	sst s3  }
0xc: {  	[smem:$0x3FA7] =	sst s4  }
0xd: {  	[smem:$0x3FA8] =	sst s5  }
0xe: {  	[smem:$0x3FA9] =	sst s6  }
0xf: {  	[smem:$0x3FAA] =	sst s7  }
0x10: {  	[smem:$0x3FAB] =	sst s8  }
0x11: {  	[smem:$0x3FAC] =	sst s9;
	s0 =	simm.s32 @!p0 $0x0  }
0x12: {  	s1 =	sld [smem:$0x3F92];
	s0 =	simm.s32 @p0 $0x1  }
0x13: {  	[smem:$0x3FAD] =	sst s0;
	s0 =	simm.s32 @!p1 $0x0  }
0x14: {  	s2 =	sld [smem:$0x3F91];
	s0 =	simm.s32 @p1 $0x1  }
0x15: {  	[smem:$0x3FAE] =	sst s0;
	s0 =	simm.s32 @!p2 $0x0  }
0x16: {  	s3 =	sld [smem:$0x3FDB];
	s0 =	simm.s32 @p2 $0x1  }
0x17: {  	s4 =	simm.s32 $0x1BF5;
	[smem:$0x3FB0] =	sst s0  }
0x18: {  	s0 =	sld [smem:$0x3F93];
	_ =	swait.ge [sflag:s4], $0x0  }
0x19: {  	s7 =	sld [smem:$0x3F94]  }
0x1a: {  	s8 =	sadd.s32 $0xFFFFE003, lr  }
0x1b: {  	s9 =	sadd.s32 $0xFFFFFEF7, lr;
	s5 =	simm.s32 $0xFFFFFFFF;
	p2 =	slt.u32 s8, $0xFFFFF086  }
0x1c: {  	p1 =	slt.u32 s9, $0xF7A;
	s5 =	simm.s32 @!p2 $0x0  }
0x1d: {  	s5 =	simm.s32 @p1 $0x1;
	p0 =	seq.s32 s7, s2  }
0x1e: {  	s7 =	smul.u32 @!p0 $0xF7A, s2;
	p2 =	seq.s32 @!p0 s5, $0x0  }
0x1f: {  	s9 =	smul.u32 $0xF7A, s1;
	s8 =	simm.s32 @!p0 $0x1BF5;
	p2 =	por !p2, p0  }
0x20: {  	[sflag:s8] =	ssyncset.s32 @!p0 $0xFFFFF086;
	s6 =	sadd.s32 @!p0 s3, s7;
	s7 =	simm.s32 @!p0 $0x108  }
0x21: {  	s3 =	sadd.s32 s3, s9;
	s6 =	sadd.s32 @!p0 $0x88, s6;
	s7 =	simm.s32 @p2 $0x1082  }
0x22: {  	[simem:s7], [sflag:s8] =	dma.local @!p0 [hbm:s6], $0xF7A  }
0x23: {  	s9 =	sor.u32 $0xD0000000, s2;
	s6 =	simm.s32 $0x108;
	_ =	swait.ge @!p0 [sflag:s8], $0x0  }
0x24: {  	s3 =	sadd.s32 $0x88, s3;
	s6 =	simm.s32 @!p1 $0x1082;
	[sflag:s4] =	ssyncset.s32 $0xFFFFF086  }
0x25: {  	[simem:s6], [sflag:s4] =	dma.local [hbm:s3], $0xF7A  }
0x26: {  	[smem:$0x3F94] =	sst s1;
	(tag) =	ssettag s2;
	_ =	strace s9  }
0x27: {  	s1 =	sld [smem:$0x3FA4]  }
0x28: {  	s2 =	sld [smem:$0x3FA5]  }
0x29: {  	s4 =	sld [smem:$0x3FA7]  }
0x2a: {  	p0 =	seq.s32 s5, $0x0;
	s5 =	sld [smem:$0x3FA8]  }
0x2b: {  	s6 =	sld [smem:$0x3FA9]  }
0x2c: {  	s7 =	sld [smem:$0x3FAA]  }
0x2d: {  	s3 =	simm.s32 $0x108;
	s8 =	sld [smem:$0x3FAB]  }
0x2e: {  	s3 =	simm.s32 @!p0 $0x1082;
	s9 =	sld [smem:$0x3FAC]  }
0x2f: {  	lr =	sadd.s32 s0, s3;
	s0 =	sld [smem:$0x3FA3]  }
0x30: {  	s3 =	sld [smem:$0x3FA6]  }
0x31: {  	[smem:$0x3FAF] =	sst s10  }
0x32: {  	s10 =	sld [smem:$0x3FAD];
	_ =	sdelay $0x3  }
0x33: {  	p0 =	seq.s32 s10, $0x1;
	s10 =	sld [smem:$0x3FAF];
	_ =	sdelay $0x3  }
0x34: {  	[smem:$0x3FAF] =	sst s10  }
0x35: {  	s10 =	sld [smem:$0x3FAE];
	_ =	sdelay $0x3  }
0x36: {  	p1 =	seq.s32 s10, $0x1;
	s10 =	sld [smem:$0x3FAF];
	_ =	sdelay $0x3  }
0x37: {  	[smem:$0x3FAF] =	sst s10  }
0x38: {  	s10 =	sld [smem:$0x3FB0]  }
0x39: {  	_ = 	snop;
	(pc) =	sbr.ind lr, $3  }
0x3a: {  	_ = 	snop  }
0x3b: {  	_ = 	snop  }
0x3c: {  	p2 =	seq.s32 s10, $0x1;
	s10 =	sld [smem:$0x3FAF]  }
0x3d: {  	_ =	shalt  }
0x3e: {  	_ =	shalt  }
0x3f: {  	_ =	shalt  }
0x40: {  	_ =	shalt  }
0x41: {  	_ =	shalt  }
0x42: {  	_ =	shalt  }
0x43: {  	_ =	shalt  }
0x44: {  	_ =	shalt  }
0x45: {  	_ =	shalt  }
0x46: {  	_ =	shalt  }
0x47: {  	_ =	shalt  }
0x48: {  	_ =	shalt  }
0x49: {  	_ =	shalt  }
0x4a: {  	_ =	shalt  }
0x4b: {  	_ =	shalt  }
0x4c: {  	_ =	shalt  }
0x4d: {  	_ =	shalt  }
0x4e: {  	_ =	shalt  }
0x4f: {  	_ =	shalt  }
0x50: {  	_ =	shalt  }
0x51: {  	_ =	shalt  }
0x52: {  	_ =	shalt  }
0x53: {  	_ =	shalt  }
0x54: {  	_ =	shalt  }
0x55: {  	_ =	shalt  }
0x56: {  	_ =	shalt  }
0x57: {  	_ =	shalt  }
0x58: {  	_ =	shalt  }
0x59: {  	_ =	shalt  }
0x5a: {  	_ =	shalt  }
0x5b: {  	_ =	shalt  }
0x5c: {  	_ =	shalt  }
0x5d: {  	_ =	shalt  }
0x5e: {  	_ =	shalt  }
0x5f: {  	_ =	shalt  }
0x60: {  	_ =	shalt  }
0x61: {  	_ =	shalt  }
0x62: {  	_ =	shalt  }
0x63: {  	_ =	shalt  }
0x64: {  	_ =	shalt  }
0x65: {  	_ =	shalt  }
0x66: {  	_ =	shalt  }
0x67: {  	_ =	shalt  }
0x68: {  	_ =	shalt  }
0x69: {  	_ =	shalt  }
0x6a: {  	_ =	shalt  }
0x6b: {  	_ =	shalt  }
0x6c: {  	_ =	shalt  }
0x6d: {  	_ =	shalt  }
0x6e: {  	_ =	shalt  }
0x6f: {  	_ =	shalt  }
0x70: {  	_ =	shalt  }
0x71: {  	_ =	shalt  }
0x72: {  	_ =	shalt  }
0x73: {  	_ =	shalt  }
0x74: {  	_ =	shalt  }
0x75: {  	_ =	shalt  }
0x76: {  	_ =	shalt  }
0x77: {  	_ =	shalt  }
0x78: {  	_ =	shalt  }
0x79: {  	_ =	shalt  }
0x7a: {  	_ =	shalt  }
0x7b: {  	_ =	shalt  }
0x7c: {  	_ =	shalt  }
0x7d: {  	_ =	shalt  }
0x7e: {  	_ =	shalt  }
0x7f: {  	_ =	shalt  }
0x80: {  	_ =	shalt  }
0x81: {  	_ =	shalt  }
0x82: {  	_ =	shalt  }
0x83: {  	_ =	shalt  }
0x84: {  	_ =	shalt  }
0x85: {  	_ =	shalt  }
0x86: {  	_ =	shalt  }
0x87: {  	_ =	shalt  }
.Lfunc_end0:
.L_simem_size_0:
called_computation.3_lowered:
.L_overlay_start_0:
0x88: {  	s2 =	sld [smem:$0x3FD9]  }
0x89: {  	s3 =	sld [smem:$0x3FFE];
	_ =	sdelay $0x1  }
0x8a: {  	s1 =	srdreg.scid  }
0x8b: {  	s0 =	sand.u32 $0x1, s1  }
0x8c: {  	s17 =	sshll.u32 s0, $0xA;
	s2 =	sadd.s32 s3, s2  }
0x8d: {  	s2 =	sadd.s32 s2, s17  }
0x8e: {  	[smem:$0x3FBB] =	sst s2  }
0x8f: {  	_ = 	snop  }
0x90: {  	(tm) =	ssettm $0x1  }
0x91: {  	s18 =	sld [smem:$0x3FFB];
	_ =	sdelay $0x3  }
0x92: {  	_ =	strace s18  }
0x93: {  	s2 =	sld [smem:$0x3FFC];
	_ =	sdelay $0x3  }
0x94: {  	_ =	strace s2  }
0x95: {  	s2 =	sld [smem:$0x3FFD];
	_ =	sdelay $0x3  }
0x96: {  	_ =	strace s2  }
0x97: {  	_ =	strace $0x8FFFFFFF  }
0x98: {  	s19 =	sld [smem:$0x3FDB];
	_ =	sdelay $0x1  }
0x99: {  	s20 =	simm.s32 $_scs_section_size  }
0x9a: {  	s4 =	simm.s32 $_size__tile_overlayer_lowered;
	s5 =	simm.s32 $_tile_overlayer_lowered  }
0x9b: {  	s6 =	simm.s32 $0x1BFF;
	s21 =	sshll.u32 s5, $0x1;
	s3 =	sadd.s32 s20, s19  }
0x9c: {  	s22 =	simm.s32 $0x0;
	s4 =	sshll.u32 s4, $0x1;
	s5 =	sadd.s32 s21, s3  }
0x9d: {  	[timem:s22], [sflag:s6] =	dma.local [hbm:s5], s4  }
0x9e: {  	_ =	swait.ge [sflag:s6], s4  }
0x9f: {  	s4 =	ssub.s32 $0x0, s4;
	[sflag:s6] =	ssyncset.done $0x0  }
0xa0: {  	[sflag:s6] =	ssyncadd.s32 s4;
	_ =	sdelay $0x1  }
0xa1: {  	s23 =	simm.s32 $0x1B8B  }
0xa2: {  	_ =	swait.ge [sflag:s23], $0x1  }
0xa3: {  	[sflag:s23] =	ssyncset.done $0x0  }
0xa4: {  	[sflag:s23] =	ssyncadd.s32 $0xFFFFFFFF  }
0xa5: {  	s4 =	sld [smem:$0x0]  }
0xa6: {  	s5 =	sand.u32 $0xFFFFFFFE, s1  }
0xa7: {  	p0 =	sne.s32 s1, s5  }
0xa8: {  	s5 =	sshll.u32 @p0 s5, $0xE  }
0xa9: {  	s5 =	sadd.s32 @p0 $0x11B8D, s5;
	s6 =	sshll.u32 @p0 s4, $0x11  }
0xaa: {  	s5 =	sor.u32 @p0 s6, s5  }
0xab: {  	[sflag:s5] =	ssyncadd.remote.s32 @p0 $0x1;
	_ =	sdelay $0x1  }
0xac: {  	s5 =	simm.s32 @p0 $0x1B8D  }
0xad: {  	_ =	swait.eq @p0 [sflag:s5], $0x1  }
0xae: {  	[sflag:s5] =	ssyncadd.s32 @p0 $0xFFFFFFFF  }
0xaf: {  	s6 =	sshll.u32 @!p0 s1, $0xE  }
0xb0: {  	s6 =	sor.u32 @!p0 $0x4000, s6;
	s5 =	simm.s32 @!p0 $0x1B8D  }
0xb1: {  	s4 =	sshll.u32 @!p0 s4, $0x11;
	s6 =	sadd.s32 @!p0 $0x11B8D, s6;
	_ =	swait.eq @!p0 [sflag:s5], $0x1  }
0xb2: {  	s4 =	sor.u32 @!p0 s4, s6;
	[sflag:s5] =	ssyncadd.s32 @!p0 $0xFFFFFFFF  }
0xb3: {  	s25 =	simm.s32 $0x1B8E;
	s24 =	sld [smem:$0x3FFE];
	[sflag:s4] =	ssyncadd.remote.s32 @!p0 $0x1  }
0xb4: {  	s26 =	simm.s32 $execute0_lowered;
	[smem:$0x3FD2] =	sst s25  }
0xb5: {  	s5 =	sshll.u32 s26, $0x1;
	_ =	strace $0x80000049;
	[dreg:$0x1] =	wrdreg $0xFFFFFFFF  }
0xb6: {  	s28 =	simm.s32 $_size_execute0_lowered;
	s3 =	sadd.s32 s3, s5;
	[dreg:$0x0] =	wrdreg $0x0  }
0xb7: {  	s5 =	sshll.u32 s28, $0x1;
	[dreg:$0x2] =	wrdreg s3  }
0xb8: {  	[dreg:$0x3] =	wrdreg s5  }
0xb9: {  	[dreg:$0x4] =	wrdreg $0xC0  }
0xba: {  	_ =	task [dreg:s22], $0x5FFFF  }
0xbb: {  	[dreg:$0x1] =	wrdreg $0xFFFFFFFF  }
0xbc: {  	[dreg:$0x0] =	wrdreg $0x60  }
0xbd: {  	[dreg:$0x2] =	wrdreg s24  }
0xbe: {  	[dreg:$0x3] =	wrdreg $0xC  }
0xbf: {  	_ =	task.clear_ibuf [dreg:s22], $0x4FFFF;
	_ =	strace $0x90000049  }
0xc0: {  	s29 =	simm.s32 $0xC;
	_ =	strace $0x8000004B  }
0xc1: {  	_ =	swait.ge [sflag:s29], $0x1  }
0xc2: {  	[sflag:s29] =	ssyncadd.s32 $0xFFFFFFFF  }
0xc3: {  	_ =	strace $0x9000004B  }
0xc4: {  	_ =	sfence  }
0xc5: {  	s30 =	sld [smem:$0x0];
	_ =	sdelay $0x2  }
0xc6: {  	s31 =	sshll.u32 s1, $0xD;
	s1 =	sshrl.u32 s1, $0x2  }
0xc7: {  	s4 =	sand.u32 $0x4000, s31;
	s1 =	sadd.s32 s1, s30  }
0xc8: {  	s0 =	sor.u32 s4, s0;
	s1 =	sshll.u32 s1, $0x11  }
0xc9: {  	s0 =	sor.u32 s1, s0  }
0xca: {  	s0 =	sadd.s32 $0x8F2B, s0  }
0xcb: {  	[sflag:s0] =	ssyncadd.remote.s32 $0x1  }
0xcc: {  	_ =	sfence.sel $0xFFFF  }
0xcd: {  	[dreg:$0x0] =	wrdreg $0xFFFFFFFF;
	(pc) =	sbr.abs _section_cstart, $3  }
0xce: {  	[dreg:$0x1] =	wrdreg $0xFFFFFFFF  }
0xcf: {  	_ =	task.clear_ibuf [dreg:s22], $0x2FFFF;
	_ =	strace $0x9FFFFFFF  }
0xd0: {  	(tm) =	ssettm $0x7FFFFFFF  }
0xd1: {  	_ =	shalt  }
tec
execute0_lowered:
.L_overlay_start_1:
0x0: {  	(tag) =	ssettag $0x1  }
0x1: {  	s4 =	rddreg [dreg:$0x0]  }
0x2: {  	s0 =	rddreg [dreg:$0x1];
	s2 =	simm.s32 $0x0;
	s3 =	srdreg.scid  }
0x3: {  	s1 =	stileid.u32;
	s10 =	simm.s32 $0x1080;
	s11 =	simm.s32 $0x1880  }
0x4: {  	s12 =	simm.s32 $0x2080;
	s13 =	simm.s32 $0x2880;
	s14 =	simm.s32 $0x3080  }
0x5: {  	s15 =	simm.s32 $0x3880;
	s16 =	simm.s32 $0x4080;
	s17 =	simm.s32 $0x4880  }
0x6: {  	s18 =	simm.s32 $0x5080;
	s19 =	simm.s32 $0x5880;
	s20 =	simm.s32 $0x6080  }
0x7: {  	s21 =	simm.s32 $0x6880;
	s22 =	simm.s32 $0x7080;
	s23 =	simm.s32 $0x7880  }
0x8: {  	s24 =	simm.s32 $0x1;
	s25 =	simm.s32 $0x0;
	s6 =	smul.u32 $0xA00, s1  }
0x9: {  	[smem:$0x7FF] =	sst s2;
	s5 =	sand.u32 $0x1, s3;
	s8 =	smul.u32 $0x14000, s1  }
0xa: {  	s3 =	sadd.s32 $0x5200, s4;
	s7 =	smul.u32 $0x500, s5;
	s9 =	ssub.s32 $0x2, s5  }
0xb: {  	_ =	strace $0x8000004A;
	s5 =	smul.u32 $0xA000, s5;
	s31 =	sshrl.u32 s9, $0x1  }
0xc: {  	s8 =	sadd.s32 s8, s4;
	s6 =	sadd.s32 s7, s6;
	s7 =	ssub.s32 s9, s31  }
0xd: {  	v2 =	vlaneseq.u32;
	s5 =	sadd.s32 s5, s8;
	s8 =	simm.s32 $0x80;
	s6 =	sshrl.u32 s6, $0x3  }
0xe: {  	vm0 =	vmmov $0xffff;
	v1 =	vshrl.u32 v2, $0x3;
	s9 =	simm.s32 $0x880;
	s5 =	sadd.s32 $0x176600, s5;
	s6 =	sadd.s32 s6, s4  }
0xf: {  	v0 =	vand.u32 $0x7, v2;
	v2 =	vor.u32 $0x8, v2;
	v1 =	vmul.u32 $0x8, v1;
	s4 =	smax.u32 s7, $0x1;
	s7 =	simm.s32 $0x2;
	s6 =	sadd.s32 $0x175200, s6  }
.LBB2_1:
0x10: {  	s26 =	smov.u32 s5;
	s28 =	simm.s32 $0x0  }
.LBB2_2:
0x11: {  	s29 =	sadd.s32 s28, s6  }
0x12: {  	[tilespmem:s2], [sflag:$0x2] =	stream.linear.gather [hbm4b:s29+s2], $0x80, $0x38;
	[tilespmem:$0x8080] =	vst v63  }
0x13: {  	_ =	swait.ge [sflag:s7], $0x80  }
0x14: {  	[sflag:s7] =	ssyncset.done $0x0  }
0x15: {  	[sflag:s7] =	ssyncadd.s32 $0xFFFFFF80  }
0x16: {  	v3 =	vld [tilespmem:$0x0];
	_ =	sdelay $0x4  }
0x17: {  	v4 =	vshll.u32 v3, $0x1  }
0x18: {  	v3 =	vand.u32 $0x7, v3;
	v4 =	vand.u32 $0xFFFFFFF0, v4  }
0x19: {  	v3 =	vor.u32 v3, v4  }
0x1a: {  	v4 =	vperm.xlane v3, v0;
	_ =	sdelay $0x1  }
0x1b: {  	v3 =	vperm.xlane v3, v2;
	v4 =	vadd.s32 v1, v4;
	_ =	sdelay $0x1  }
0x1c: {  	v3 =	vadd.s32 v1, v3;
	_ =	sdelay $0x2  }
0x1d: {  	[tilespmem:s8], [sflag:$0x1] =	stream.indirect_vreg.gather [hbm4b:s3+s2], $0x80, v4, vm0, $0xb8;
	[tilespmem:$0x8080] =	vst v63  }
0x1e: {  	_ = 	snop  }
0x1f: {  	[tilespmem:s9], [sflag:$0x1] =	stream.indirect_vreg.gather [hbm4b:s3+s2], $0x80, v3, vm0, $0xb8;
	[tilespmem:$0x8080] =	vst v63  }
0x20: {  	v3 =	vld [tilespmem:$0x10];
	_ =	sdelay $0x4  }
0x21: {  	v57 =	vshll.u32 v3, $0x1  }
0x22: {  	v3 =	vand.u32 $0x7, v3;
	v4 =	vand.u32 $0xFFFFFFF0, v57  }
0x23: {  	v3 =	vor.u32 v3, v4  }
0x24: {  	v4 =	vperm.xlane v3, v0;
	_ =	sdelay $0x1  }
0x25: {  	v3 =	vperm.xlane v3, v2;
	v4 =	vadd.s32 v1, v4;
	_ =	sdelay $0x1  }
0x26: {  	v3 =	vadd.s32 v1, v3;
	_ =	sdelay $0x2  }
0x27: {  	[tilespmem:s10], [sflag:$0x1] =	stream.indirect_vreg.gather [hbm4b:s3+s2], $0x80, v4, vm0, $0xb8;
	[tilespmem:$0x8080] =	vst v63  }
0x28: {  	_ = 	snop  }
0x29: {  	[tilespmem:s11], [sflag:$0x1] =	stream.indirect_vreg.gather [hbm4b:s3+s2], $0x80, v3, vm0, $0xb8;
	[tilespmem:$0x8080] =	vst v63  }
0x2a: {  	v3 =	vld [tilespmem:$0x20];
	_ =	sdelay $0x4  }
0x2b: {  	v58 =	vshll.u32 v3, $0x1  }
0x2c: {  	v3 =	vand.u32 $0x7, v3;
	v4 =	vand.u32 $0xFFFFFFF0, v58  }
0x2d: {  	v3 =	vor.u32 v3, v4  }
0x2e: {  	v4 =	vperm.xlane v3, v0;
	_ =	sdelay $0x1  }
0x2f: {  	v3 =	vperm.xlane v3, v2;
	v4 =	vadd.s32 v1, v4;
	_ =	sdelay $0x1  }
0x30: {  	v3 =	vadd.s32 v1, v3;
	_ =	sdelay $0x2  }
0x31: {  	[tilespmem:s12], [sflag:$0x1] =	stream.indirect_vreg.gather [hbm4b:s3+s2], $0x80, v4, vm0, $0xb8;
	[tilespmem:$0x8080] =	vst v63  }
0x32: {  	_ = 	snop  }
0x33: {  	[tilespmem:s13], [sflag:$0x1] =	stream.indirect_vreg.gather [hbm4b:s3+s2], $0x80, v3, vm0, $0xb8;
	[tilespmem:$0x8080] =	vst v63  }
0x34: {  	v3 =	vld [tilespmem:$0x30];
	_ =	sdelay $0x4  }
0x35: {  	v59 =	vshll.u32 v3, $0x1  }
0x36: {  	v3 =	vand.u32 $0x7, v3;
	v4 =	vand.u32 $0xFFFFFFF0, v59  }
0x37: {  	v3 =	vor.u32 v3, v4  }
0x38: {  	v4 =	vperm.xlane v3, v0;
	_ =	sdelay $0x1  }
0x39: {  	v3 =	vperm.xlane v3, v2;
	v4 =	vadd.s32 v1, v4;
	_ =	sdelay $0x1  }
0x3a: {  	v3 =	vadd.s32 v1, v3;
	_ =	sdelay $0x2  }
0x3b: {  	[tilespmem:s14], [sflag:$0x1] =	stream.indirect_vreg.gather [hbm4b:s3+s2], $0x80, v4, vm0, $0xb8;
	[tilespmem:$0x8080] =	vst v63  }
0x3c: {  	_ = 	snop  }
0x3d: {  	[tilespmem:s15], [sflag:$0x1] =	stream.indirect_vreg.gather [hbm4b:s3+s2], $0x80, v3, vm0, $0xb8;
	[tilespmem:$0x8080] =	vst v63  }
0x3e: {  	v3 =	vld [tilespmem:$0x40];
	_ =	sdelay $0x4  }
0x3f: {  	v60 =	vshll.u32 v3, $0x1  }
0x40: {  	v3 =	vand.u32 $0x7, v3;
	v4 =	vand.u32 $0xFFFFFFF0, v60  }
0x41: {  	v3 =	vor.u32 v3, v4  }
0x42: {  	v4 =	vperm.xlane v3, v0;
	_ =	sdelay $0x1  }
0x43: {  	v3 =	vperm.xlane v3, v2;
	v4 =	vadd.s32 v1, v4;
	_ =	sdelay $0x1  }
0x44: {  	v3 =	vadd.s32 v1, v3;
	_ =	sdelay $0x2  }
0x45: {  	[tilespmem:s16], [sflag:$0x1] =	stream.indirect_vreg.gather [hbm4b:s3+s2], $0x80, v4, vm0, $0xb8;
	[tilespmem:$0x8080] =	vst v63  }
0x46: {  	_ = 	snop  }
0x47: {  	[tilespmem:s17], [sflag:$0x1] =	stream.indirect_vreg.gather [hbm4b:s3+s2], $0x80, v3, vm0, $0xb8;
	[tilespmem:$0x8080] =	vst v63  }
0x48: {  	v3 =	vld [tilespmem:$0x50];
	_ =	sdelay $0x4  }
0x49: {  	v61 =	vshll.u32 v3, $0x1  }
0x4a: {  	v3 =	vand.u32 $0x7, v3;
	v4 =	vand.u32 $0xFFFFFFF0, v61  }
0x4b: {  	v3 =	vor.u32 v3, v4  }
0x4c: {  	v4 =	vperm.xlane v3, v0;
	_ =	sdelay $0x1  }
0x4d: {  	v3 =	vperm.xlane v3, v2;
	v4 =	vadd.s32 v1, v4;
	_ =	sdelay $0x1  }
0x4e: {  	v3 =	vadd.s32 v1, v3;
	_ =	sdelay $0x2  }
0x4f: {  	[tilespmem:s18], [sflag:$0x1] =	stream.indirect_vreg.gather [hbm4b:s3+s2], $0x80, v4, vm0, $0xb8;
	[tilespmem:$0x8080] =	vst v63  }
0x50: {  	_ = 	snop  }
0x51: {  	[tilespmem:s19], [sflag:$0x1] =	stream.indirect_vreg.gather [hbm4b:s3+s2], $0x80, v3, vm0, $0xb8;
	[tilespmem:$0x8080] =	vst v63  }
0x52: {  	v3 =	vld [tilespmem:$0x60];
	_ =	sdelay $0x4  }
0x53: {  	v62 =	vshll.u32 v3, $0x1  }
0x54: {  	v3 =	vand.u32 $0x7, v3;
	v4 =	vand.u32 $0xFFFFFFF0, v62  }
0x55: {  	v3 =	vor.u32 v3, v4  }
0x56: {  	v4 =	vperm.xlane v3, v0;
	_ =	sdelay $0x1  }
0x57: {  	v3 =	vperm.xlane v3, v2;
	v4 =	vadd.s32 v1, v4;
	_ =	sdelay $0x1  }
0x58: {  	v3 =	vadd.s32 v1, v3;
	_ =	sdelay $0x2  }
0x59: {  	[tilespmem:s20], [sflag:$0x1] =	stream.indirect_vreg.gather [hbm4b:s3+s2], $0x80, v4, vm0, $0xb8;
	[tilespmem:$0x8080] =	vst v63  }
0x5a: {  	_ = 	snop  }
0x5b: {  	[tilespmem:s21], [sflag:$0x1] =	stream.indirect_vreg.gather [hbm4b:s3+s2], $0x80, v3, vm0, $0xb8;
	[tilespmem:$0x8080] =	vst v63  }
0x5c: {  	v3 =	vld [tilespmem:$0x70];
	_ =	sdelay $0x4  }
0x5d: {  	v63 =	vshll.u32 v3, $0x1  }
0x5e: {  	v3 =	vand.u32 $0x7, v3;
	v4 =	vand.u32 $0xFFFFFFF0, v63  }
0x5f: {  	v3 =	vor.u32 v3, v4  }
0x60: {  	v4 =	vperm.xlane v3, v0;
	_ =	sdelay $0x1  }
0x61: {  	v3 =	vperm.xlane v3, v2;
	v4 =	vadd.s32 v1, v4;
	_ =	sdelay $0x1  }
0x62: {  	v3 =	vadd.s32 v1, v3;
	_ =	sdelay $0x2  }
0x63: {  	[tilespmem:s22], [sflag:$0x1] =	stream.indirect_vreg.gather [hbm4b:s3+s2], $0x80, v4, vm0, $0xb8;
	[tilespmem:$0x8080] =	vst v63  }
0x64: {  	_ = 	snop  }
0x65: {  	[tilespmem:s23], [sflag:$0x1] =	stream.indirect_vreg.gather [hbm4b:s3+s2], $0x80, v3, vm0, $0xb8;
	[tilespmem:$0x8080] =	vst v63  }
0x66: {  	_ =	swait.ge [sflag:s24], $0x8000  }
0x67: {  	p0 =	sne.s32 s28, $0x90;
	[sflag:s24] =	ssyncset.done $0x0  }
.Ltmp0:
0x68: {  	[sflag:s24] =	ssyncadd.s32 $0xFFFF8000;
	(pc) =	sbr.rel @p0 .LBB2_2-.Ltmp0, $4  }
0x69: {  	[hbm4b:s26+s2] =	stream.linear.scatter [tilespmem:s8], [sflag:$0x2], $0x8000, $0x38;
	[tilespmem:$0x8080] =	vst v63  }
0x6a: {  	_ =	swait.ge [sflag:s7], $0x8000  }
0x6b: {  	[sflag:s7] =	ssyncset.done $0x0  }
0x6c: {  	s28 =	sadd.s32 $0x10, s28;
	s26 =	sadd.s32 $0x1000, s26;
	[sflag:s7] =	ssyncadd.s32 $0xFFFF8000  }
0x6d: {  	s25 =	sadd.s32 $0x1, s25  }
0x6e: {  	p0 =	sne.s32 s25, s4  }
.Ltmp1:
0x6f: {  	_ = 	snop;
	(pc) =	sbr.rel @p0 .LBB2_1-.Ltmp1, $1  }
0x70: {  	_ =	sdelay $0x3  }
0x71: {  	_ =	sfence.sel $0x180000  }
0x72: {  	[bflag:$0x0] =	sbarrier.arrive $0xFFFF  }
0x73: {  	p0 =	sne.s32 s1, $0x0;
	_ =	strace $0x9000004A  }
0x74: {  	s0 =	sadd.s32 @!p0 $0x100000, s0;
	[bflag:$0x2] =	sbarrier.arrive $0xFFFF  }
0x75: {  	[sflag:s0] =	ssyncadd.tile.s32 @!p0 $0x1;
	_ =	shalt  }
.Lfunc_end2:
_tile_overlayer_lowered:
.L_overlay_start_2:
0x76: {  	(tag) =	ssettag $0x2  }
0x77: {  	s0 =	rddreg [dreg:$0x0];
	s2 =	stileid.u32  }
0x78: {  	s1 =	rddreg [dreg:$0x1];
	p0 =	sne.s32 s2, $0x0  }
0x79: {  	s3 =	rddreg [dreg:$0x2];
	[bflag:$0x3] =	sbarrier.arrive $0xFFFF;
	s2 =	simm.s32 @!p0 $0x1C02  }
0x7a: {  	[timem:s3], [sflag:s2] =	dma.local @!p0 [hbm:s0], s1  }
0x7b: {  	s0 =	simm.s32 @!p0 $0x2  }
0x7c: {  	_ =	swait.ge @!p0 [sflag:s0], s1  }
0x7d: {  	s1 =	ssub.s32 @!p0 $0x0, s1;
	[sflag:s0] =	ssyncset.done @!p0 $0x0  }
0x7e: {  	[sflag:s0] =	ssyncadd.s32 @!p0 s1  }
0x7f: {  	[bflag:$0x3] =	sbarrier.arrive $0xFFFF  }
0x80: {  	_ =	shalt  }

</sc_bundles>
